<compile_context>
chip_gen: v7x
topology: tpu7x:2x2x1
jax: 0.10.2.dev20260603
libtpu: 0.0.44.dev20260713+nightly
codegen_flags: <defaults>
</compile_context>

<pallas_src>
import functools
import math

import jax
import jax.numpy as jnp
import numpy as np
from jax import lax
from jax.experimental import pallas as pl
from jax.experimental.pallas import tpu as pltpu
from jax.experimental.pallas import tpu_sc as plsc

_N = 100000
_K = 16
_LI = 128 * _K
_LO = 1024 * _K
_GRID = math.ceil(_N / _LI)

_NC = 2
_WIN = 1000
_CHT = 100
_MASKS = (210, 180, 232)

_sc_mesh = plsc.VectorSubcoreMesh(core_axis_name="c", subcore_axis_name="s")


@functools.partial(
    pl.kernel,
    out_type=jax.ShapeDtypeStruct((3 * 8 * _N,), jnp.int32),
    mesh=_sc_mesh,
    scratch_types=[
        pltpu.VMEM((_WIN,), jnp.int32),
        pltpu.VMEM((8 * _WIN,), jnp.int32),
    ],
    compiler_params=pltpu.CompilerParams(
        use_tc_tiling_on_sc=False, needs_layout_passes=False),
)
def _sc_inds(indsT_hbm, oindsT_hbm, ibuf, obuf):
    wid = lax.axis_index("s") * _NC + lax.axis_index("c")
    lane = lax.iota(jnp.int32, 16)
    sel = lane >> 3
    j = lane & 7

    for c in range(3):
        off = (_MASKS[c] >> j) & 1
        for t in range(4):
            g = wid + 32 * t

            @pl.when(g < _CHT)
            def _():
                pltpu.sync_copy(
                    indsT_hbm.at[pl.ds(c * _N + g * _WIN, _WIN)], ibuf)

                def step(p, carry):
                    v = plsc.load_gather(ibuf, [2 * p + sel])
                    obuf[pl.ds(16 * p, 16)] = 2 * v + off
                    return carry

                lax.fori_loop(0, _WIN // 2, step, 0)
                pltpu.sync_copy(
                    obuf,
                    oindsT_hbm.at[pl.ds(c * 8 * _N + g * 8 * _WIN, 8 * _WIN)])


_G0_NP = np.zeros((128, 1024), np.float32)
for _i in range(128):
    _G0_NP[_i, 8 * _i:8 * _i + 8] = 1.0


def _tc_body(g_ref, featsT_ref, ofeatsT_ref):
    x = featsT_ref[...]
    g = g_ref[...]
    for v in range(_K):
        xs = jax.lax.slice(x, (0, 128 * v), (64, 128 * v + 128))
        ofeatsT_ref[:, 1024 * v:1024 * (v + 1)] = jnp.dot(
            xs, g, preferred_element_type=jnp.float32)


def kernel(voxel_inds, feats):
    indsT_flat = voxel_inds.T.reshape(-1)
    featsT = feats.T

    oindsT_flat = _sc_inds(indsT_flat)
    ofeatsT = pl.pallas_call(
        _tc_body,
        grid=(_GRID,),
        in_specs=[pl.BlockSpec((128, 1024), lambda i: (0, 0)),
                  pl.BlockSpec((64, _LI), lambda i: (0, i))],
        out_specs=pl.BlockSpec((64, _LO), lambda i: (0, i)),
        out_shape=jax.ShapeDtypeStruct((64, 8 * _N), jnp.float32),
    )(jnp.asarray(_G0_NP), featsT)

    return oindsT_flat.reshape(3, 8 * _N).T, ofeatsT.T

# --- scband reference (transcript-rebuilt; emitter-appended) ---
"""Pipeline reference for scband-upsampler-31756988187341 (READ-ONLY COPY).

The authoritative reference and input builder live on the scoring server;
editing this copy changes nothing except your own understanding.
"""

import jax, jax.numpy as jnp
import numpy as np

UPSAMPLE_OFFSETS = jnp.array([[[0, 0, 0], [1, 0, 0], [0, 1, 0], [0, 0, 1], [1, 1, 0], [0, 1, 1], [1, 0, 1], [1, 1, 1]]], dtype=jnp.int32)
UPSAMPLE_MUL = jnp.array([[[2, 2, 2]]], dtype=jnp.int32)


def setup_inputs(seed: int = 0) -> dict:
    key = jax.random.key(seed)
    k1, k2 = jax.random.split(key)
    voxel_inds = jax.random.randint(k1, (100000, 3), 0, 512, dtype=jnp.int32)
    feats = jax.random.normal(k2, (100000, 64), dtype=jnp.float32)
    return {"voxel_inds": voxel_inds, "feats": feats}


def reference(voxel_inds, feats):
    # upsample_inds: (N,1,3) * (1,1,3) + (1,8,3) -> (N,8,3) -> (N*8,3)
    up_inds = (voxel_inds[:, None] * UPSAMPLE_MUL + UPSAMPLE_OFFSETS).reshape(-1, 3)
    # upsample_feats: feats[:,None].repeat(1,8,1) -> (N,8,d) -> (N*8,d)
    n, d = feats.shape
    up_feats = jnp.broadcast_to(feats[:, None, :], (n, 8, d)).reshape(-1, d).astype(jnp.float32)
    return up_inds, up_feats

if __name__ == "__main__":
    import jax
    _d = setup_inputs()
    print(jax.jit(kernel)(*tuple(_d.values())))

</pallas_src>

<mosaic_0001>
#map = affine_map<(d0, d1) -> (0)>
module attributes {stable_mosaic.version = 14 : i64} {
  func.func @_sc_inds(%arg0: i32, %arg1: i32, %arg2: memref<300000xi32, #tpu.memory_space<hbm>>, %arg3: memref<2400000xi32, #tpu.memory_space<hbm>>, %arg4: memref<1000xi32, #tpu.memory_space<vmem>>, %arg5: memref<8000xi32, #tpu.memory_space<vmem>>) attributes {dimension_semantics = [#tpu.dimension_semantics<core_parallel>, #tpu.dimension_semantics<subcore_parallel>], iteration_bounds = array<i64: 2, 16>, scalar_prefetch = 0 : i64, scratch_operands = 2 : i64, tpu.core_type = #tpu.core_type<sc_vector_subcore>, window_params = [{transform_indices = #map}, {transform_indices = #map}]} {
    %mul3A = arith.constant 2 : i32
    %mul3A_0 = arith.muli %arg1, %mul3A : i32
    %add3A = arith.addi %mul3A_0, %arg0 : i32
    %iota3A = tpu.iota {dimensions = array<i32: 0>} : vector<16xi32>
    %shift_right_arithmetic3A = arith.constant 3 : i32
    %shift_right_arithmetic3A_1 = vector.broadcast %shift_right_arithmetic3A : i32 to vector<16xi32>
    %shift_right_arithmetic3A_2 = arith.shrsi %iota3A, %shift_right_arithmetic3A_1 : vector<16xi32>
    %and3A = arith.constant 7 : i32
    %and3A_3 = vector.broadcast %and3A : i32 to vector<16xi32>
    %and3A_4 = arith.andi %iota3A, %and3A_3 : vector<16xi32>
    %shift_right_arithmetic3A_5 = arith.constant 210 : i32
    %shift_right_arithmetic3A_6 = vector.broadcast %shift_right_arithmetic3A_5 : i32 to vector<16xi32>
    %shift_right_arithmetic3A_7 = arith.shrsi %shift_right_arithmetic3A_6, %and3A_4 : vector<16xi32>
    %and3A_8 = arith.constant 1 : i32
    %and3A_9 = vector.broadcast %and3A_8 : i32 to vector<16xi32>
    %and3A_10 = arith.andi %shift_right_arithmetic3A_7, %and3A_9 : vector<16xi32>
    %add3A_11 = arith.constant 0 : i32
    %add3A_12 = arith.addi %add3A, %add3A_11 : i32
    %lt3A = arith.constant 100 : i32
    %lt3A_13 = arith.cmpi slt, %add3A_12, %lt3A : i32
    %convert_element_type3A = arith.extui %lt3A_13 : i1 to i32
    %cond3A = arith.constant 0 : i32
    %cond3A_14 = arith.cmpi ne, %convert_element_type3A, %cond3A : i32
    scf.if %cond3A_14 {
      %mul3A_104 = arith.constant 1000 : i32
      %mul3A_105 = arith.muli %add3A_12, %mul3A_104 : i32
      %add3A_106 = arith.constant 0 : i32
      %add3A_107 = arith.addi %add3A_106, %mul3A_105 : i32
      "tpu.region"() ({
        %run_scoped3A = tpu.sem_alloc : memref<!tpu.dma_semaphore, #tpu.memory_space<semaphore_mem>>
        %dma_start3A = tpu.memref_slice %arg2[%add3A_107] : memref<300000xi32, #tpu.memory_space<hbm>> -> memref<1000xi32, #tpu.memory_space<hbm>>
        %dma_start3A_119 = tpu.memref_slice %arg2[%add3A_107] : memref<300000xi32, #tpu.memory_space<hbm>> -> memref<1000xi32, #tpu.memory_space<hbm>>
        tpu.enqueue_dma source(%dma_start3A_119 : memref<1000xi32, #tpu.memory_space<hbm>>) target(%arg4 : memref<1000xi32, #tpu.memory_space<vmem>>) target_semaphore(%run_scoped3A : memref<!tpu.dma_semaphore, #tpu.memory_space<semaphore_mem>>)
        %dma_wait3A = tpu.memref_slice %arg2[%add3A_107] : memref<300000xi32, #tpu.memory_space<hbm>> -> memref<1000xi32, #tpu.memory_space<hbm>>
        %dma_wait3A_120 = tpu.memref_slice %arg2[%add3A_107] : memref<300000xi32, #tpu.memory_space<hbm>> -> memref<1000xi32, #tpu.memory_space<hbm>>
        tpu.wait_dma2 semaphore(%run_scoped3A : memref<!tpu.dma_semaphore, #tpu.memory_space<semaphore_mem>>) src(%dma_wait3A_120 : memref<1000xi32, #tpu.memory_space<hbm>>) dst(%arg4 : memref<1000xi32, #tpu.memory_space<vmem>>)
        tpu.yield
      }) : () -> ()
      %scan3A = arith.constant 0 : i32
      %scan3A_108 = arith.constant 0 : i32
      %scan3A_109 = arith.constant 500 : i32
      %scan3A_110 = arith.addi %scan3A_108, %scan3A_109 : i32
      %scan3A_111 = arith.constant 1 : i32
      scf.for %scan3A_119 = %scan3A_108 to %scan3A_110 step %scan3A_111  : i32 {
        %mul3A_120 = arith.constant 2 : i32
        %mul3A_121 = arith.muli %mul3A_120, %scan3A_119 : i32
        %add3A_122 = vector.broadcast %mul3A_121 : i32 to vector<16xi32>
        %add3A_123 = arith.addi %add3A_122, %shift_right_arithmetic3A_2 : vector<16xi32>
        %gather3A = tpu.vector_load_idx %arg4[%add3A_123] : memref<1000xi32, #tpu.memory_space<vmem>>[vector<16xi32>], vector<16xi32>,
        %mul3A_124 = arith.constant 2 : i32
        %mul3A_125 = vector.broadcast %mul3A_124 : i32 to vector<16xi32>
        %mul3A_126 = arith.muli %mul3A_125, %gather3A : vector<16xi32>
        %add3A_127 = arith.addi %mul3A_126, %and3A_10 : vector<16xi32>
        %mul3A_128 = arith.constant 16 : i32
        %mul3A_129 = arith.muli %mul3A_128, %scan3A_119 : i32
        %swap3A = arith.index_cast %mul3A_129 : i32 to index
        %swap3A_130 = tpu.vector_load %arg5[%swap3A] {strides = array<i32>} : memref<8000xi32, #tpu.memory_space<vmem>>, vector<16xi32>,
        tpu.vector_store %arg5[%swap3A], %add3A_127 {strides = array<i32>} : memref<8000xi32, #tpu.memory_space<vmem>>, vector<16xi32>,
      }
      %scan3A_112 = arith.constant 500 : i32
      %mul3A_113 = arith.constant 8 : i32
      %mul3A_114 = arith.muli %add3A_12, %mul3A_113 : i32
      %mul3A_115 = arith.constant 1000 : i32
      %mul3A_116 = arith.muli %mul3A_114, %mul3A_115 : i32
      %add3A_117 = arith.constant 0 : i32
      %add3A_118 = arith.addi %add3A_117, %mul3A_116 : i32
      "tpu.region"() ({
        %run_scoped3A = tpu.sem_alloc : memref<!tpu.dma_semaphore, #tpu.memory_space<semaphore_mem>>
        %dma_start3A = tpu.memref_slice %arg3[%add3A_118] : memref<2400000xi32, #tpu.memory_space<hbm>> -> memref<8000xi32, #tpu.memory_space<hbm>>
        %dma_start3A_119 = tpu.memref_slice %arg3[%add3A_118] : memref<2400000xi32, #tpu.memory_space<hbm>> -> memref<8000xi32, #tpu.memory_space<hbm>>
        tpu.enqueue_dma source(%arg5 : memref<8000xi32, #tpu.memory_space<vmem>>) target(%dma_start3A_119 : memref<8000xi32, #tpu.memory_space<hbm>>) target_semaphore(%run_scoped3A : memref<!tpu.dma_semaphore, #tpu.memory_space<semaphore_mem>>)
        %dma_wait3A = tpu.memref_slice %arg3[%add3A_118] : memref<2400000xi32, #tpu.memory_space<hbm>> -> memref<8000xi32, #tpu.memory_space<hbm>>
        %dma_wait3A_120 = tpu.memref_slice %arg3[%add3A_118] : memref<2400000xi32, #tpu.memory_space<hbm>> -> memref<8000xi32, #tpu.memory_space<hbm>>
        tpu.wait_dma2 semaphore(%run_scoped3A : memref<!tpu.dma_semaphore, #tpu.memory_space<semaphore_mem>>) src(%arg5 : memref<8000xi32, #tpu.memory_space<vmem>>) dst(%dma_wait3A_120 : memref<8000xi32, #tpu.memory_space<hbm>>)
        tpu.yield
      }) : () -> ()
    } else {
    }
    %add3A_15 = arith.constant 32 : i32
    %add3A_16 = arith.addi %add3A, %add3A_15 : i32
    %lt3A_17 = arith.constant 100 : i32
    %lt3A_18 = arith.cmpi slt, %add3A_16, %lt3A_17 : i32
    %convert_element_type3A_19 = arith.extui %lt3A_18 : i1 to i32
    %cond3A_20 = arith.constant 0 : i32
    %cond3A_21 = arith.cmpi ne, %convert_element_type3A_19, %cond3A_20 : i32
    scf.if %cond3A_21 {
      %mul3A_104 = arith.constant 1000 : i32
      %mul3A_105 = arith.muli %add3A_16, %mul3A_104 : i32
      %add3A_106 = arith.constant 0 : i32
      %add3A_107 = arith.addi %add3A_106, %mul3A_105 : i32
      "tpu.region"() ({
        %run_scoped3A = tpu.sem_alloc : memref<!tpu.dma_semaphore, #tpu.memory_space<semaphore_mem>>
        %dma_start3A = tpu.memref_slice %arg2[%add3A_107] : memref<300000xi32, #tpu.memory_space<hbm>> -> memref<1000xi32, #tpu.memory_space<hbm>>
        %dma_start3A_119 = tpu.memref_slice %arg2[%add3A_107] : memref<300000xi32, #tpu.memory_space<hbm>> -> memref<1000xi32, #tpu.memory_space<hbm>>
        tpu.enqueue_dma source(%dma_start3A_119 : memref<1000xi32, #tpu.memory_space<hbm>>) target(%arg4 : memref<1000xi32, #tpu.memory_space<vmem>>) target_semaphore(%run_scoped3A : memref<!tpu.dma_semaphore, #tpu.memory_space<semaphore_mem>>)
        %dma_wait3A = tpu.memref_slice %arg2[%add3A_107] : memref<300000xi32, #tpu.memory_space<hbm>> -> memref<1000xi32, #tpu.memory_space<hbm>>
        %dma_wait3A_120 = tpu.memref_slice %arg2[%add3A_107] : memref<300000xi32, #tpu.memory_space<hbm>> -> memref<1000xi32, #tpu.memory_space<hbm>>
        tpu.wait_dma2 semaphore(%run_scoped3A : memref<!tpu.dma_semaphore, #tpu.memory_space<semaphore_mem>>) src(%dma_wait3A_120 : memref<1000xi32, #tpu.memory_space<hbm>>) dst(%arg4 : memref<1000xi32, #tpu.memory_space<vmem>>)
        tpu.yield
      }) : () -> ()
      %scan3A = arith.constant 0 : i32
      %scan3A_108 = arith.constant 0 : i32
      %scan3A_109 = arith.constant 500 : i32
      %scan3A_110 = arith.addi %scan3A_108, %scan3A_109 : i32
      %scan3A_111 = arith.constant 1 : i32
      scf.for %scan3A_119 = %scan3A_108 to %scan3A_110 step %scan3A_111  : i32 {
        %mul3A_120 = arith.constant 2 : i32
        %mul3A_121 = arith.muli %mul3A_120, %scan3A_119 : i32
        %add3A_122 = vector.broadcast %mul3A_121 : i32 to vector<16xi32>
        %add3A_123 = arith.addi %add3A_122, %shift_right_arithmetic3A_2 : vector<16xi32>
        %gather3A = tpu.vector_load_idx %arg4[%add3A_123] : memref<1000xi32, #tpu.memory_space<vmem>>[vector<16xi32>], vector<16xi32>,
        %mul3A_124 = arith.constant 2 : i32
        %mul3A_125 = vector.broadcast %mul3A_124 : i32 to vector<16xi32>
        %mul3A_126 = arith.muli %mul3A_125, %gather3A : vector<16xi32>
        %add3A_127 = arith.addi %mul3A_126, %and3A_10 : vector<16xi32>
        %mul3A_128 = arith.constant 16 : i32
        %mul3A_129 = arith.muli %mul3A_128, %scan3A_119 : i32
        %swap3A = arith.index_cast %mul3A_129 : i32 to index
        %swap3A_130 = tpu.vector_load %arg5[%swap3A] {strides = array<i32>} : memref<8000xi32, #tpu.memory_space<vmem>>, vector<16xi32>,
        tpu.vector_store %arg5[%swap3A], %add3A_127 {strides = array<i32>} : memref<8000xi32, #tpu.memory_space<vmem>>, vector<16xi32>,
      }
      %scan3A_112 = arith.constant 500 : i32
      %mul3A_113 = arith.constant 8 : i32
      %mul3A_114 = arith.muli %add3A_16, %mul3A_113 : i32
      %mul3A_115 = arith.constant 1000 : i32
      %mul3A_116 = arith.muli %mul3A_114, %mul3A_115 : i32
      %add3A_117 = arith.constant 0 : i32
      %add3A_118 = arith.addi %add3A_117, %mul3A_116 : i32
      "tpu.region"() ({
        %run_scoped3A = tpu.sem_alloc : memref<!tpu.dma_semaphore, #tpu.memory_space<semaphore_mem>>
        %dma_start3A = tpu.memref_slice %arg3[%add3A_118] : memref<2400000xi32, #tpu.memory_space<hbm>> -> memref<8000xi32, #tpu.memory_space<hbm>>
        %dma_start3A_119 = tpu.memref_slice %arg3[%add3A_118] : memref<2400000xi32, #tpu.memory_space<hbm>> -> memref<8000xi32, #tpu.memory_space<hbm>>
        tpu.enqueue_dma source(%arg5 : memref<8000xi32, #tpu.memory_space<vmem>>) target(%dma_start3A_119 : memref<8000xi32, #tpu.memory_space<hbm>>) target_semaphore(%run_scoped3A : memref<!tpu.dma_semaphore, #tpu.memory_space<semaphore_mem>>)
        %dma_wait3A = tpu.memref_slice %arg3[%add3A_118] : memref<2400000xi32, #tpu.memory_space<hbm>> -> memref<8000xi32, #tpu.memory_space<hbm>>
        %dma_wait3A_120 = tpu.memref_slice %arg3[%add3A_118] : memref<2400000xi32, #tpu.memory_space<hbm>> -> memref<8000xi32, #tpu.memory_space<hbm>>
        tpu.wait_dma2 semaphore(%run_scoped3A : memref<!tpu.dma_semaphore, #tpu.memory_space<semaphore_mem>>) src(%arg5 : memref<8000xi32, #tpu.memory_space<vmem>>) dst(%dma_wait3A_120 : memref<8000xi32, #tpu.memory_space<hbm>>)
        tpu.yield
      }) : () -> ()
    } else {
    }
    %add3A_22 = arith.constant 64 : i32
    %add3A_23 = arith.addi %add3A, %add3A_22 : i32
    %lt3A_24 = arith.constant 100 : i32
    %lt3A_25 = arith.cmpi slt, %add3A_23, %lt3A_24 : i32
    %convert_element_type3A_26 = arith.extui %lt3A_25 : i1 to i32
    %cond3A_27 = arith.constant 0 : i32
    %cond3A_28 = arith.cmpi ne, %convert_element_type3A_26, %cond3A_27 : i32
    scf.if %cond3A_28 {
      %mul3A_104 = arith.constant 1000 : i32
      %mul3A_105 = arith.muli %add3A_23, %mul3A_104 : i32
      %add3A_106 = arith.constant 0 : i32
      %add3A_107 = arith.addi %add3A_106, %mul3A_105 : i32
      "tpu.region"() ({
        %run_scoped3A = tpu.sem_alloc : memref<!tpu.dma_semaphore, #tpu.memory_space<semaphore_mem>>
        %dma_start3A = tpu.memref_slice %arg2[%add3A_107] : memref<300000xi32, #tpu.memory_space<hbm>> -> memref<1000xi32, #tpu.memory_space<hbm>>
        %dma_start3A_119 = tpu.memref_slice %arg2[%add3A_107] : memref<300000xi32, #tpu.memory_space<hbm>> -> memref<1000xi32, #tpu.memory_space<hbm>>
        tpu.enqueue_dma source(%dma_start3A_119 : memref<1000xi32, #tpu.memory_space<hbm>>) target(%arg4 : memref<1000xi32, #tpu.memory_space<vmem>>) target_semaphore(%run_scoped3A : memref<!tpu.dma_semaphore, #tpu.memory_space<semaphore_mem>>)
        %dma_wait3A = tpu.memref_slice %arg2[%add3A_107] : memref<300000xi32, #tpu.memory_space<hbm>> -> memref<1000xi32, #tpu.memory_space<hbm>>
        %dma_wait3A_120 = tpu.memref_slice %arg2[%add3A_107] : memref<300000xi32, #tpu.memory_space<hbm>> -> memref<1000xi32, #tpu.memory_space<hbm>>
        tpu.wait_dma2 semaphore(%run_scoped3A : memref<!tpu.dma_semaphore, #tpu.memory_space<semaphore_mem>>) src(%dma_wait3A_120 : memref<1000xi32, #tpu.memory_space<hbm>>) dst(%arg4 : memref<1000xi32, #tpu.memory_space<vmem>>)
        tpu.yield
      }) : () -> ()
      %scan3A = arith.constant 0 : i32
      %scan3A_108 = arith.constant 0 : i32
      %scan3A_109 = arith.constant 500 : i32
      %scan3A_110 = arith.addi %scan3A_108, %scan3A_109 : i32
      %scan3A_111 = arith.constant 1 : i32
      scf.for %scan3A_119 = %scan3A_108 to %scan3A_110 step %scan3A_111  : i32 {
        %mul3A_120 = arith.constant 2 : i32
        %mul3A_121 = arith.muli %mul3A_120, %scan3A_119 : i32
        %add3A_122 = vector.broadcast %mul3A_121 : i32 to vector<16xi32>
        %add3A_123 = arith.addi %add3A_122, %shift_right_arithmetic3A_2 : vector<16xi32>
        %gather3A = tpu.vector_load_idx %arg4[%add3A_123] : memref<1000xi32, #tpu.memory_space<vmem>>[vector<16xi32>], vector<16xi32>,
        %mul3A_124 = arith.constant 2 : i32
        %mul3A_125 = vector.broadcast %mul3A_124 : i32 to vector<16xi32>
        %mul3A_126 = arith.muli %mul3A_125, %gather3A : vector<16xi32>
        %add3A_127 = arith.addi %mul3A_126, %and3A_10 : vector<16xi32>
        %mul3A_128 = arith.constant 16 : i32
        %mul3A_129 = arith.muli %mul3A_128, %scan3A_119 : i32
        %swap3A = arith.index_cast %mul3A_129 : i32 to index
        %swap3A_130 = tpu.vector_load %arg5[%swap3A] {strides = array<i32>} : memref<8000xi32, #tpu.memory_space<vmem>>, vector<16xi32>,
        tpu.vector_store %arg5[%swap3A], %add3A_127 {strides = array<i32>} : memref<8000xi32, #tpu.memory_space<vmem>>, vector<16xi32>,
      }
      %scan3A_112 = arith.constant 500 : i32
      %mul3A_113 = arith.constant 8 : i32
      %mul3A_114 = arith.muli %add3A_23, %mul3A_113 : i32
      %mul3A_115 = arith.constant 1000 : i32
      %mul3A_116 = arith.muli %mul3A_114, %mul3A_115 : i32
      %add3A_117 = arith.constant 0 : i32
      %add3A_118 = arith.addi %add3A_117, %mul3A_116 : i32
      "tpu.region"() ({
        %run_scoped3A = tpu.sem_alloc : memref<!tpu.dma_semaphore, #tpu.memory_space<semaphore_mem>>
        %dma_start3A = tpu.memref_slice %arg3[%add3A_118] : memref<2400000xi32, #tpu.memory_space<hbm>> -> memref<8000xi32, #tpu.memory_space<hbm>>
        %dma_start3A_119 = tpu.memref_slice %arg3[%add3A_118] : memref<2400000xi32, #tpu.memory_space<hbm>> -> memref<8000xi32, #tpu.memory_space<hbm>>
        tpu.enqueue_dma source(%arg5 : memref<8000xi32, #tpu.memory_space<vmem>>) target(%dma_start3A_119 : memref<8000xi32, #tpu.memory_space<hbm>>) target_semaphore(%run_scoped3A : memref<!tpu.dma_semaphore, #tpu.memory_space<semaphore_mem>>)
        %dma_wait3A = tpu.memref_slice %arg3[%add3A_118] : memref<2400000xi32, #tpu.memory_space<hbm>> -> memref<8000xi32, #tpu.memory_space<hbm>>
        %dma_wait3A_120 = tpu.memref_slice %arg3[%add3A_118] : memref<2400000xi32, #tpu.memory_space<hbm>> -> memref<8000xi32, #tpu.memory_space<hbm>>
        tpu.wait_dma2 semaphore(%run_scoped3A : memref<!tpu.dma_semaphore, #tpu.memory_space<semaphore_mem>>) src(%arg5 : memref<8000xi32, #tpu.memory_space<vmem>>) dst(%dma_wait3A_120 : memref<8000xi32, #tpu.memory_space<hbm>>)
        tpu.yield
      }) : () -> ()
    } else {
    }
    %add3A_29 = arith.constant 96 : i32
    %add3A_30 = arith.addi %add3A, %add3A_29 : i32
    %lt3A_31 = arith.constant 100 : i32
    %lt3A_32 = arith.cmpi slt, %add3A_30, %lt3A_31 : i32
    %convert_element_type3A_33 = arith.extui %lt3A_32 : i1 to i32
    %cond3A_34 = arith.constant 0 : i32
    %cond3A_35 = arith.cmpi ne, %convert_element_type3A_33, %cond3A_34 : i32
    scf.if %cond3A_35 {
      %mul3A_104 = arith.constant 1000 : i32
      %mul3A_105 = arith.muli %add3A_30, %mul3A_104 : i32
      %add3A_106 = arith.constant 0 : i32
      %add3A_107 = arith.addi %add3A_106, %mul3A_105 : i32
      "tpu.region"() ({
        %run_scoped3A = tpu.sem_alloc : memref<!tpu.dma_semaphore, #tpu.memory_space<semaphore_mem>>
        %dma_start3A = tpu.memref_slice %arg2[%add3A_107] : memref<300000xi32, #tpu.memory_space<hbm>> -> memref<1000xi32, #tpu.memory_space<hbm>>
        %dma_start3A_119 = tpu.memref_slice %arg2[%add3A_107] : memref<300000xi32, #tpu.memory_space<hbm>> -> memref<1000xi32, #tpu.memory_space<hbm>>
        tpu.enqueue_dma source(%dma_start3A_119 : memref<1000xi32, #tpu.memory_space<hbm>>) target(%arg4 : memref<1000xi32, #tpu.memory_space<vmem>>) target_semaphore(%run_scoped3A : memref<!tpu.dma_semaphore, #tpu.memory_space<semaphore_mem>>)
        %dma_wait3A = tpu.memref_slice %arg2[%add3A_107] : memref<300000xi32, #tpu.memory_space<hbm>> -> memref<1000xi32, #tpu.memory_space<hbm>>
        %dma_wait3A_120 = tpu.memref_slice %arg2[%add3A_107] : memref<300000xi32, #tpu.memory_space<hbm>> -> memref<1000xi32, #tpu.memory_space<hbm>>
        tpu.wait_dma2 semaphore(%run_scoped3A : memref<!tpu.dma_semaphore, #tpu.memory_space<semaphore_mem>>) src(%dma_wait3A_120 : memref<1000xi32, #tpu.memory_space<hbm>>) dst(%arg4 : memref<1000xi32, #tpu.memory_space<vmem>>)
        tpu.yield
      }) : () -> ()
      %scan3A = arith.constant 0 : i32
      %scan3A_108 = arith.constant 0 : i32
      %scan3A_109 = arith.constant 500 : i32
      %scan3A_110 = arith.addi %scan3A_108, %scan3A_109 : i32
      %scan3A_111 = arith.constant 1 : i32
      scf.for %scan3A_119 = %scan3A_108 to %scan3A_110 step %scan3A_111  : i32 {
        %mul3A_120 = arith.constant 2 : i32
        %mul3A_121 = arith.muli %mul3A_120, %scan3A_119 : i32
        %add3A_122 = vector.broadcast %mul3A_121 : i32 to vector<16xi32>
        %add3A_123 = arith.addi %add3A_122, %shift_right_arithmetic3A_2 : vector<16xi32>
        %gather3A = tpu.vector_load_idx %arg4[%add3A_123] : memref<1000xi32, #tpu.memory_space<vmem>>[vector<16xi32>], vector<16xi32>,
        %mul3A_124 = arith.constant 2 : i32
        %mul3A_125 = vector.broadcast %mul3A_124 : i32 to vector<16xi32>
        %mul3A_126 = arith.muli %mul3A_125, %gather3A : vector<16xi32>
        %add3A_127 = arith.addi %mul3A_126, %and3A_10 : vector<16xi32>
        %mul3A_128 = arith.constant 16 : i32
        %mul3A_129 = arith.muli %mul3A_128, %scan3A_119 : i32
        %swap3A = arith.index_cast %mul3A_129 : i32 to index
        %swap3A_130 = tpu.vector_load %arg5[%swap3A] {strides = array<i32>} : memref<8000xi32, #tpu.memory_space<vmem>>, vector<16xi32>,
        tpu.vector_store %arg5[%swap3A], %add3A_127 {strides = array<i32>} : memref<8000xi32, #tpu.memory_space<vmem>>, vector<16xi32>,
      }
      %scan3A_112 = arith.constant 500 : i32
      %mul3A_113 = arith.constant 8 : i32
      %mul3A_114 = arith.muli %add3A_30, %mul3A_113 : i32
      %mul3A_115 = arith.constant 1000 : i32
      %mul3A_116 = arith.muli %mul3A_114, %mul3A_115 : i32
      %add3A_117 = arith.constant 0 : i32
      %add3A_118 = arith.addi %add3A_117, %mul3A_116 : i32
      "tpu.region"() ({
        %run_scoped3A = tpu.sem_alloc : memref<!tpu.dma_semaphore, #tpu.memory_space<semaphore_mem>>
        %dma_start3A = tpu.memref_slice %arg3[%add3A_118] : memref<2400000xi32, #tpu.memory_space<hbm>> -> memref<8000xi32, #tpu.memory_space<hbm>>
        %dma_start3A_119 = tpu.memref_slice %arg3[%add3A_118] : memref<2400000xi32, #tpu.memory_space<hbm>> -> memref<8000xi32, #tpu.memory_space<hbm>>
        tpu.enqueue_dma source(%arg5 : memref<8000xi32, #tpu.memory_space<vmem>>) target(%dma_start3A_119 : memref<8000xi32, #tpu.memory_space<hbm>>) target_semaphore(%run_scoped3A : memref<!tpu.dma_semaphore, #tpu.memory_space<semaphore_mem>>)
        %dma_wait3A = tpu.memref_slice %arg3[%add3A_118] : memref<2400000xi32, #tpu.memory_space<hbm>> -> memref<8000xi32, #tpu.memory_space<hbm>>
        %dma_wait3A_120 = tpu.memref_slice %arg3[%add3A_118] : memref<2400000xi32, #tpu.memory_space<hbm>> -> memref<8000xi32, #tpu.memory_space<hbm>>
        tpu.wait_dma2 semaphore(%run_scoped3A : memref<!tpu.dma_semaphore, #tpu.memory_space<semaphore_mem>>) src(%arg5 : memref<8000xi32, #tpu.memory_space<vmem>>) dst(%dma_wait3A_120 : memref<8000xi32, #tpu.memory_space<hbm>>)
        tpu.yield
      }) : () -> ()
    } else {
    }
    %shift_right_arithmetic3A_36 = arith.constant 180 : i32
    %shift_right_arithmetic3A_37 = vector.broadcast %shift_right_arithmetic3A_36 : i32 to vector<16xi32>
    %shift_right_arithmetic3A_38 = arith.shrsi %shift_right_arithmetic3A_37, %and3A_4 : vector<16xi32>
    %and3A_39 = arith.constant 1 : i32
    %and3A_40 = vector.broadcast %and3A_39 : i32 to vector<16xi32>
    %and3A_41 = arith.andi %shift_right_arithmetic3A_38, %and3A_40 : vector<16xi32>
    %add3A_42 = arith.constant 0 : i32
    %add3A_43 = arith.addi %add3A, %add3A_42 : i32
    %lt3A_44 = arith.constant 100 : i32
    %lt3A_45 = arith.cmpi slt, %add3A_43, %lt3A_44 : i32
    %convert_element_type3A_46 = arith.extui %lt3A_45 : i1 to i32
    %cond3A_47 = arith.constant 0 : i32
    %cond3A_48 = arith.cmpi ne, %convert_element_type3A_46, %cond3A_47 : i32
    scf.if %cond3A_48 {
      %mul3A_104 = arith.constant 1000 : i32
      %mul3A_105 = arith.muli %add3A_43, %mul3A_104 : i32
      %add3A_106 = arith.constant 100000 : i32
      %add3A_107 = arith.addi %add3A_106, %mul3A_105 : i32
      "tpu.region"() ({
        %run_scoped3A = tpu.sem_alloc : memref<!tpu.dma_semaphore, #tpu.memory_space<semaphore_mem>>
        %dma_start3A = tpu.memref_slice %arg2[%add3A_107] : memref<300000xi32, #tpu.memory_space<hbm>> -> memref<1000xi32, #tpu.memory_space<hbm>>
        %dma_start3A_119 = tpu.memref_slice %arg2[%add3A_107] : memref<300000xi32, #tpu.memory_space<hbm>> -> memref<1000xi32, #tpu.memory_space<hbm>>
        tpu.enqueue_dma source(%dma_start3A_119 : memref<1000xi32, #tpu.memory_space<hbm>>) target(%arg4 : memref<1000xi32, #tpu.memory_space<vmem>>) target_semaphore(%run_scoped3A : memref<!tpu.dma_semaphore, #tpu.memory_space<semaphore_mem>>)
        %dma_wait3A = tpu.memref_slice %arg2[%add3A_107] : memref<300000xi32, #tpu.memory_space<hbm>> -> memref<1000xi32, #tpu.memory_space<hbm>>
        %dma_wait3A_120 = tpu.memref_slice %arg2[%add3A_107] : memref<300000xi32, #tpu.memory_space<hbm>> -> memref<1000xi32, #tpu.memory_space<hbm>>
        tpu.wait_dma2 semaphore(%run_scoped3A : memref<!tpu.dma_semaphore, #tpu.memory_space<semaphore_mem>>) src(%dma_wait3A_120 : memref<1000xi32, #tpu.memory_space<hbm>>) dst(%arg4 : memref<1000xi32, #tpu.memory_space<vmem>>)
        tpu.yield
      }) : () -> ()
      %scan3A = arith.constant 0 : i32
      %scan3A_108 = arith.constant 0 : i32
      %scan3A_109 = arith.constant 500 : i32
      %scan3A_110 = arith.addi %scan3A_108, %scan3A_109 : i32
      %scan3A_111 = arith.constant 1 : i32
      scf.for %scan3A_119 = %scan3A_108 to %scan3A_110 step %scan3A_111  : i32 {
        %mul3A_120 = arith.constant 2 : i32
        %mul3A_121 = arith.muli %mul3A_120, %scan3A_119 : i32
        %add3A_122 = vector.broadcast %mul3A_121 : i32 to vector<16xi32>
        %add3A_123 = arith.addi %add3A_122, %shift_right_arithmetic3A_2 : vector<16xi32>
        %gather3A = tpu.vector_load_idx %arg4[%add3A_123] : memref<1000xi32, #tpu.memory_space<vmem>>[vector<16xi32>], vector<16xi32>,
        %mul3A_124 = arith.constant 2 : i32
        %mul3A_125 = vector.broadcast %mul3A_124 : i32 to vector<16xi32>
        %mul3A_126 = arith.muli %mul3A_125, %gather3A : vector<16xi32>
        %add3A_127 = arith.addi %mul3A_126, %and3A_41 : vector<16xi32>
        %mul3A_128 = arith.constant 16 : i32
        %mul3A_129 = arith.muli %mul3A_128, %scan3A_119 : i32
        %swap3A = arith.index_cast %mul3A_129 : i32 to index
        %swap3A_130 = tpu.vector_load %arg5[%swap3A] {strides = array<i32>} : memref<8000xi32, #tpu.memory_space<vmem>>, vector<16xi32>,
        tpu.vector_store %arg5[%swap3A], %add3A_127 {strides = array<i32>} : memref<8000xi32, #tpu.memory_space<vmem>>, vector<16xi32>,
      }
      %scan3A_112 = arith.constant 500 : i32
      %mul3A_113 = arith.constant 8 : i32
      %mul3A_114 = arith.muli %add3A_43, %mul3A_113 : i32
      %mul3A_115 = arith.constant 1000 : i32
      %mul3A_116 = arith.muli %mul3A_114, %mul3A_115 : i32
      %add3A_117 = arith.constant 800000 : i32
      %add3A_118 = arith.addi %add3A_117, %mul3A_116 : i32
      "tpu.region"() ({
        %run_scoped3A = tpu.sem_alloc : memref<!tpu.dma_semaphore, #tpu.memory_space<semaphore_mem>>
        %dma_start3A = tpu.memref_slice %arg3[%add3A_118] : memref<2400000xi32, #tpu.memory_space<hbm>> -> memref<8000xi32, #tpu.memory_space<hbm>>
        %dma_start3A_119 = tpu.memref_slice %arg3[%add3A_118] : memref<2400000xi32, #tpu.memory_space<hbm>> -> memref<8000xi32, #tpu.memory_space<hbm>>
        tpu.enqueue_dma source(%arg5 : memref<8000xi32, #tpu.memory_space<vmem>>) target(%dma_start3A_119 : memref<8000xi32, #tpu.memory_space<hbm>>) target_semaphore(%run_scoped3A : memref<!tpu.dma_semaphore, #tpu.memory_space<semaphore_mem>>)
        %dma_wait3A = tpu.memref_slice %arg3[%add3A_118] : memref<2400000xi32, #tpu.memory_space<hbm>> -> memref<8000xi32, #tpu.memory_space<hbm>>
        %dma_wait3A_120 = tpu.memref_slice %arg3[%add3A_118] : memref<2400000xi32, #tpu.memory_space<hbm>> -> memref<8000xi32, #tpu.memory_space<hbm>>
        tpu.wait_dma2 semaphore(%run_scoped3A : memref<!tpu.dma_semaphore, #tpu.memory_space<semaphore_mem>>) src(%arg5 : memref<8000xi32, #tpu.memory_space<vmem>>) dst(%dma_wait3A_120 : memref<8000xi32, #tpu.memory_space<hbm>>)
        tpu.yield
      }) : () -> ()
    } else {
    }
    %add3A_49 = arith.constant 32 : i32
    %add3A_50 = arith.addi %add3A, %add3A_49 : i32
    %lt3A_51 = arith.constant 100 : i32
    %lt3A_52 = arith.cmpi slt, %add3A_50, %lt3A_51 : i32
    %convert_element_type3A_53 = arith.extui %lt3A_52 : i1 to i32
    %cond3A_54 = arith.constant 0 : i32
    %cond3A_55 = arith.cmpi ne, %convert_element_type3A_53, %cond3A_54 : i32
    scf.if %cond3A_55 {
      %mul3A_104 = arith.constant 1000 : i32
      %mul3A_105 = arith.muli %add3A_50, %mul3A_104 : i32
      %add3A_106 = arith.constant 100000 : i32
      %add3A_107 = arith.addi %add3A_106, %mul3A_105 : i32
      "tpu.region"() ({
        %run_scoped3A = tpu.sem_alloc : memref<!tpu.dma_semaphore, #tpu.memory_space<semaphore_mem>>
        %dma_start3A = tpu.memref_slice %arg2[%add3A_107] : memref<300000xi32, #tpu.memory_space<hbm>> -> memref<1000xi32, #tpu.memory_space<hbm>>
        %dma_start3A_119 = tpu.memref_slice %arg2[%add3A_107] : memref<300000xi32, #tpu.memory_space<hbm>> -> memref<1000xi32, #tpu.memory_space<hbm>>
        tpu.enqueue_dma source(%dma_start3A_119 : memref<1000xi32, #tpu.memory_space<hbm>>) target(%arg4 : memref<1000xi32, #tpu.memory_space<vmem>>) target_semaphore(%run_scoped3A : memref<!tpu.dma_semaphore, #tpu.memory_space<semaphore_mem>>)
        %dma_wait3A = tpu.memref_slice %arg2[%add3A_107] : memref<300000xi32, #tpu.memory_space<hbm>> -> memref<1000xi32, #tpu.memory_space<hbm>>
        %dma_wait3A_120 = tpu.memref_slice %arg2[%add3A_107] : memref<300000xi32, #tpu.memory_space<hbm>> -> memref<1000xi32, #tpu.memory_space<hbm>>
        tpu.wait_dma2 semaphore(%run_scoped3A : memref<!tpu.dma_semaphore, #tpu.memory_space<semaphore_mem>>) src(%dma_wait3A_120 : memref<1000xi32, #tpu.memory_space<hbm>>) dst(%arg4 : memref<1000xi32, #tpu.memory_space<vmem>>)
        tpu.yield
      }) : () -> ()
      %scan3A = arith.constant 0 : i32
      %scan3A_108 = arith.constant 0 : i32
      %scan3A_109 = arith.constant 500 : i32
      %scan3A_110 = arith.addi %scan3A_108, %scan3A_109 : i32
      %scan3A_111 = arith.constant 1 : i32
      scf.for %scan3A_119 = %scan3A_108 to %scan3A_110 step %scan3A_111  : i32 {
        %mul3A_120 = arith.constant 2 : i32
        %mul3A_121 = arith.muli %mul3A_120, %scan3A_119 : i32
        %add3A_122 = vector.broadcast %mul3A_121 : i32 to vector<16xi32>
        %add3A_123 = arith.addi %add3A_122, %shift_right_arithmetic3A_2 : vector<16xi32>
        %gather3A = tpu.vector_load_idx %arg4[%add3A_123] : memref<1000xi32, #tpu.memory_space<vmem>>[vector<16xi32>], vector<16xi32>,
        %mul3A_124 = arith.constant 2 : i32
        %mul3A_125 = vector.broadcast %mul3A_124 : i32 to vector<16xi32>
        %mul3A_126 = arith.muli %mul3A_125, %gather3A : vector<16xi32>
        %add3A_127 = arith.addi %mul3A_126, %and3A_41 : vector<16xi32>
        %mul3A_128 = arith.constant 16 : i32
        %mul3A_129 = arith.muli %mul3A_128, %scan3A_119 : i32
        %swap3A = arith.index_cast %mul3A_129 : i32 to index
        %swap3A_130 = tpu.vector_load %arg5[%swap3A] {strides = array<i32>} : memref<8000xi32, #tpu.memory_space<vmem>>, vector<16xi32>,
        tpu.vector_store %arg5[%swap3A], %add3A_127 {strides = array<i32>} : memref<8000xi32, #tpu.memory_space<vmem>>, vector<16xi32>,
      }
      %scan3A_112 = arith.constant 500 : i32
      %mul3A_113 = arith.constant 8 : i32
      %mul3A_114 = arith.muli %add3A_50, %mul3A_113 : i32
      %mul3A_115 = arith.constant 1000 : i32
      %mul3A_116 = arith.muli %mul3A_114, %mul3A_115 : i32
      %add3A_117 = arith.constant 800000 : i32
      %add3A_118 = arith.addi %add3A_117, %mul3A_116 : i32
      "tpu.region"() ({
        %run_scoped3A = tpu.sem_alloc : memref<!tpu.dma_semaphore, #tpu.memory_space<semaphore_mem>>
        %dma_start3A = tpu.memref_slice %arg3[%add3A_118] : memref<2400000xi32, #tpu.memory_space<hbm>> -> memref<8000xi32, #tpu.memory_space<hbm>>
        %dma_start3A_119 = tpu.memref_slice %arg3[%add3A_118] : memref<2400000xi32, #tpu.memory_space<hbm>> -> memref<8000xi32, #tpu.memory_space<hbm>>
        tpu.enqueue_dma source(%arg5 : memref<8000xi32, #tpu.memory_space<vmem>>) target(%dma_start3A_119 : memref<8000xi32, #tpu.memory_space<hbm>>) target_semaphore(%run_scoped3A : memref<!tpu.dma_semaphore, #tpu.memory_space<semaphore_mem>>)
        %dma_wait3A = tpu.memref_slice %arg3[%add3A_118] : memref<2400000xi32, #tpu.memory_space<hbm>> -> memref<8000xi32, #tpu.memory_space<hbm>>
        %dma_wait3A_120 = tpu.memref_slice %arg3[%add3A_118] : memref<2400000xi32, #tpu.memory_space<hbm>> -> memref<8000xi32, #tpu.memory_space<hbm>>
        tpu.wait_dma2 semaphore(%run_scoped3A : memref<!tpu.dma_semaphore, #tpu.memory_space<semaphore_mem>>) src(%arg5 : memref<8000xi32, #tpu.memory_space<vmem>>) dst(%dma_wait3A_120 : memref<8000xi32, #tpu.memory_space<hbm>>)
        tpu.yield
      }) : () -> ()
    } else {
    }
    %add3A_56 = arith.constant 64 : i32
    %add3A_57 = arith.addi %add3A, %add3A_56 : i32
    %lt3A_58 = arith.constant 100 : i32
    %lt3A_59 = arith.cmpi slt, %add3A_57, %lt3A_58 : i32
    %convert_element_type3A_60 = arith.extui %lt3A_59 : i1 to i32
    %cond3A_61 = arith.constant 0 : i32
    %cond3A_62 = arith.cmpi ne, %convert_element_type3A_60, %cond3A_61 : i32
    scf.if %cond3A_62 {
      %mul3A_104 = arith.constant 1000 : i32
      %mul3A_105 = arith.muli %add3A_57, %mul3A_104 : i32
      %add3A_106 = arith.constant 100000 : i32
      %add3A_107 = arith.addi %add3A_106, %mul3A_105 : i32
      "tpu.region"() ({
        %run_scoped3A = tpu.sem_alloc : memref<!tpu.dma_semaphore, #tpu.memory_space<semaphore_mem>>
        %dma_start3A = tpu.memref_slice %arg2[%add3A_107] : memref<300000xi32, #tpu.memory_space<hbm>> -> memref<1000xi32, #tpu.memory_space<hbm>>
        %dma_start3A_119 = tpu.memref_slice %arg2[%add3A_107] : memref<300000xi32, #tpu.memory_space<hbm>> -> memref<1000xi32, #tpu.memory_space<hbm>>
        tpu.enqueue_dma source(%dma_start3A_119 : memref<1000xi32, #tpu.memory_space<hbm>>) target(%arg4 : memref<1000xi32, #tpu.memory_space<vmem>>) target_semaphore(%run_scoped3A : memref<!tpu.dma_semaphore, #tpu.memory_space<semaphore_mem>>)
        %dma_wait3A = tpu.memref_slice %arg2[%add3A_107] : memref<300000xi32, #tpu.memory_space<hbm>> -> memref<1000xi32, #tpu.memory_space<hbm>>
        %dma_wait3A_120 = tpu.memref_slice %arg2[%add3A_107] : memref<300000xi32, #tpu.memory_space<hbm>> -> memref<1000xi32, #tpu.memory_space<hbm>>
        tpu.wait_dma2 semaphore(%run_scoped3A : memref<!tpu.dma_semaphore, #tpu.memory_space<semaphore_mem>>) src(%dma_wait3A_120 : memref<1000xi32, #tpu.memory_space<hbm>>) dst(%arg4 : memref<1000xi32, #tpu.memory_space<vmem>>)
        tpu.yield
      }) : () -> ()
      %scan3A = arith.constant 0 : i32
      %scan3A_108 = arith.constant 0 : i32
      %scan3A_109 = arith.constant 500 : i32
      %scan3A_110 = arith.addi %scan3A_108, %scan3A_109 : i32
      %scan3A_111 = arith.constant 1 : i32
      scf.for %scan3A_119 = %scan3A_108 to %scan3A_110 step %scan3A_111  : i32 {
        %mul3A_120 = arith.constant 2 : i32
        %mul3A_121 = arith.muli %mul3A_120, %scan3A_119 : i32
        %add3A_122 = vector.broadcast %mul3A_121 : i32 to vector<16xi32>
        %add3A_123 = arith.addi %add3A_122, %shift_right_arithmetic3A_2 : vector<16xi32>
        %gather3A = tpu.vector_load_idx %arg4[%add3A_123] : memref<1000xi32, #tpu.memory_space<vmem>>[vector<16xi32>], vector<16xi32>,
        %mul3A_124 = arith.constant 2 : i32
        %mul3A_125 = vector.broadcast %mul3A_124 : i32 to vector<16xi32>
        %mul3A_126 = arith.muli %mul3A_125, %gather3A : vector<16xi32>
        %add3A_127 = arith.addi %mul3A_126, %and3A_41 : vector<16xi32>
        %mul3A_128 = arith.constant 16 : i32
        %mul3A_129 = arith.muli %mul3A_128, %scan3A_119 : i32
        %swap3A = arith.index_cast %mul3A_129 : i32 to index
        %swap3A_130 = tpu.vector_load %arg5[%swap3A] {strides = array<i32>} : memref<8000xi32, #tpu.memory_space<vmem>>, vector<16xi32>,
        tpu.vector_store %arg5[%swap3A], %add3A_127 {strides = array<i32>} : memref<8000xi32, #tpu.memory_space<vmem>>, vector<16xi32>,
      }
      %scan3A_112 = arith.constant 500 : i32
      %mul3A_113 = arith.constant 8 : i32
      %mul3A_114 = arith.muli %add3A_57, %mul3A_113 : i32
      %mul3A_115 = arith.constant 1000 : i32
      %mul3A_116 = arith.muli %mul3A_114, %mul3A_115 : i32
      %add3A_117 = arith.constant 800000 : i32
      %add3A_118 = arith.addi %add3A_117, %mul3A_116 : i32
      "tpu.region"() ({
        %run_scoped3A = tpu.sem_alloc : memref<!tpu.dma_semaphore, #tpu.memory_space<semaphore_mem>>
        %dma_start3A = tpu.memref_slice %arg3[%add3A_118] : memref<2400000xi32, #tpu.memory_space<hbm>> -> memref<8000xi32, #tpu.memory_space<hbm>>
        %dma_start3A_119 = tpu.memref_slice %arg3[%add3A_118] : memref<2400000xi32, #tpu.memory_space<hbm>> -> memref<8000xi32, #tpu.memory_space<hbm>>
        tpu.enqueue_dma source(%arg5 : memref<8000xi32, #tpu.memory_space<vmem>>) target(%dma_start3A_119 : memref<8000xi32, #tpu.memory_space<hbm>>) target_semaphore(%run_scoped3A : memref<!tpu.dma_semaphore, #tpu.memory_space<semaphore_mem>>)
        %dma_wait3A = tpu.memref_slice %arg3[%add3A_118] : memref<2400000xi32, #tpu.memory_space<hbm>> -> memref<8000xi32, #tpu.memory_space<hbm>>
        %dma_wait3A_120 = tpu.memref_slice %arg3[%add3A_118] : memref<2400000xi32, #tpu.memory_space<hbm>> -> memref<8000xi32, #tpu.memory_space<hbm>>
        tpu.wait_dma2 semaphore(%run_scoped3A : memref<!tpu.dma_semaphore, #tpu.memory_space<semaphore_mem>>) src(%arg5 : memref<8000xi32, #tpu.memory_space<vmem>>) dst(%dma_wait3A_120 : memref<8000xi32, #tpu.memory_space<hbm>>)
        tpu.yield
      }) : () -> ()
    } else {
    }
    %add3A_63 = arith.constant 96 : i32
    %add3A_64 = arith.addi %add3A, %add3A_63 : i32
    %lt3A_65 = arith.constant 100 : i32
    %lt3A_66 = arith.cmpi slt, %add3A_64, %lt3A_65 : i32
    %convert_element_type3A_67 = arith.extui %lt3A_66 : i1 to i32
    %cond3A_68 = arith.constant 0 : i32
    %cond3A_69 = arith.cmpi ne, %convert_element_type3A_67, %cond3A_68 : i32
    scf.if %cond3A_69 {
      %mul3A_104 = arith.constant 1000 : i32
      %mul3A_105 = arith.muli %add3A_64, %mul3A_104 : i32
      %add3A_106 = arith.constant 100000 : i32
      %add3A_107 = arith.addi %add3A_106, %mul3A_105 : i32
      "tpu.region"() ({
        %run_scoped3A = tpu.sem_alloc : memref<!tpu.dma_semaphore, #tpu.memory_space<semaphore_mem>>
        %dma_start3A = tpu.memref_slice %arg2[%add3A_107] : memref<300000xi32, #tpu.memory_space<hbm>> -> memref<1000xi32, #tpu.memory_space<hbm>>
        %dma_start3A_119 = tpu.memref_slice %arg2[%add3A_107] : memref<300000xi32, #tpu.memory_space<hbm>> -> memref<1000xi32, #tpu.memory_space<hbm>>
        tpu.enqueue_dma source(%dma_start3A_119 : memref<1000xi32, #tpu.memory_space<hbm>>) target(%arg4 : memref<1000xi32, #tpu.memory_space<vmem>>) target_semaphore(%run_scoped3A : memref<!tpu.dma_semaphore, #tpu.memory_space<semaphore_mem>>)
        %dma_wait3A = tpu.memref_slice %arg2[%add3A_107] : memref<300000xi32, #tpu.memory_space<hbm>> -> memref<1000xi32, #tpu.memory_space<hbm>>
        %dma_wait3A_120 = tpu.memref_slice %arg2[%add3A_107] : memref<300000xi32, #tpu.memory_space<hbm>> -> memref<1000xi32, #tpu.memory_space<hbm>>
        tpu.wait_dma2 semaphore(%run_scoped3A : memref<!tpu.dma_semaphore, #tpu.memory_space<semaphore_mem>>) src(%dma_wait3A_120 : memref<1000xi32, #tpu.memory_space<hbm>>) dst(%arg4 : memref<1000xi32, #tpu.memory_space<vmem>>)
        tpu.yield
      }) : () -> ()
      %scan3A = arith.constant 0 : i32
      %scan3A_108 = arith.constant 0 : i32
      %scan3A_109 = arith.constant 500 : i32
      %scan3A_110 = arith.addi %scan3A_108, %scan3A_109 : i32
      %scan3A_111 = arith.constant 1 : i32
      scf.for %scan3A_119 = %scan3A_108 to %scan3A_110 step %scan3A_111  : i32 {
        %mul3A_120 = arith.constant 2 : i32
        %mul3A_121 = arith.muli %mul3A_120, %scan3A_119 : i32
        %add3A_122 = vector.broadcast %mul3A_121 : i32 to vector<16xi32>
        %add3A_123 = arith.addi %add3A_122, %shift_right_arithmetic3A_2 : vector<16xi32>
        %gather3A = tpu.vector_load_idx %arg4[%add3A_123] : memref<1000xi32, #tpu.memory_space<vmem>>[vector<16xi32>], vector<16xi32>,
        %mul3A_124 = arith.constant 2 : i32
        %mul3A_125 = vector.broadcast %mul3A_124 : i32 to vector<16xi32>
        %mul3A_126 = arith.muli %mul3A_125, %gather3A : vector<16xi32>
        %add3A_127 = arith.addi %mul3A_126, %and3A_41 : vector<16xi32>
        %mul3A_128 = arith.constant 16 : i32
        %mul3A_129 = arith.muli %mul3A_128, %scan3A_119 : i32
        %swap3A = arith.index_cast %mul3A_129 : i32 to index
        %swap3A_130 = tpu.vector_load %arg5[%swap3A] {strides = array<i32>} : memref<8000xi32, #tpu.memory_space<vmem>>, vector<16xi32>,
        tpu.vector_store %arg5[%swap3A], %add3A_127 {strides = array<i32>} : memref<8000xi32, #tpu.memory_space<vmem>>, vector<16xi32>,
      }
      %scan3A_112 = arith.constant 500 : i32
      %mul3A_113 = arith.constant 8 : i32
      %mul3A_114 = arith.muli %add3A_64, %mul3A_113 : i32
      %mul3A_115 = arith.constant 1000 : i32
      %mul3A_116 = arith.muli %mul3A_114, %mul3A_115 : i32
      %add3A_117 = arith.constant 800000 : i32
      %add3A_118 = arith.addi %add3A_117, %mul3A_116 : i32
      "tpu.region"() ({
        %run_scoped3A = tpu.sem_alloc : memref<!tpu.dma_semaphore, #tpu.memory_space<semaphore_mem>>
        %dma_start3A = tpu.memref_slice %arg3[%add3A_118] : memref<2400000xi32, #tpu.memory_space<hbm>> -> memref<8000xi32, #tpu.memory_space<hbm>>
        %dma_start3A_119 = tpu.memref_slice %arg3[%add3A_118] : memref<2400000xi32, #tpu.memory_space<hbm>> -> memref<8000xi32, #tpu.memory_space<hbm>>
        tpu.enqueue_dma source(%arg5 : memref<8000xi32, #tpu.memory_space<vmem>>) target(%dma_start3A_119 : memref<8000xi32, #tpu.memory_space<hbm>>) target_semaphore(%run_scoped3A : memref<!tpu.dma_semaphore, #tpu.memory_space<semaphore_mem>>)
        %dma_wait3A = tpu.memref_slice %arg3[%add3A_118] : memref<2400000xi32, #tpu.memory_space<hbm>> -> memref<8000xi32, #tpu.memory_space<hbm>>
        %dma_wait3A_120 = tpu.memref_slice %arg3[%add3A_118] : memref<2400000xi32, #tpu.memory_space<hbm>> -> memref<8000xi32, #tpu.memory_space<hbm>>
        tpu.wait_dma2 semaphore(%run_scoped3A : memref<!tpu.dma_semaphore, #tpu.memory_space<semaphore_mem>>) src(%arg5 : memref<8000xi32, #tpu.memory_space<vmem>>) dst(%dma_wait3A_120 : memref<8000xi32, #tpu.memory_space<hbm>>)
        tpu.yield
      }) : () -> ()
    } else {
    }
    %shift_right_arithmetic3A_70 = arith.constant 232 : i32
    %shift_right_arithmetic3A_71 = vector.broadcast %shift_right_arithmetic3A_70 : i32 to vector<16xi32>
    %shift_right_arithmetic3A_72 = arith.shrsi %shift_right_arithmetic3A_71, %and3A_4 : vector<16xi32>
    %and3A_73 = arith.constant 1 : i32
    %and3A_74 = vector.broadcast %and3A_73 : i32 to vector<16xi32>
    %and3A_75 = arith.andi %shift_right_arithmetic3A_72, %and3A_74 : vector<16xi32>
    %add3A_76 = arith.constant 0 : i32
    %add3A_77 = arith.addi %add3A, %add3A_76 : i32
    %lt3A_78 = arith.constant 100 : i32
    %lt3A_79 = arith.cmpi slt, %add3A_77, %lt3A_78 : i32
    %convert_element_type3A_80 = arith.extui %lt3A_79 : i1 to i32
    %cond3A_81 = arith.constant 0 : i32
    %cond3A_82 = arith.cmpi ne, %convert_element_type3A_80, %cond3A_81 : i32
    scf.if %cond3A_82 {
      %mul3A_104 = arith.constant 1000 : i32
      %mul3A_105 = arith.muli %add3A_77, %mul3A_104 : i32
      %add3A_106 = arith.constant 200000 : i32
      %add3A_107 = arith.addi %add3A_106, %mul3A_105 : i32
      "tpu.region"() ({
        %run_scoped3A = tpu.sem_alloc : memref<!tpu.dma_semaphore, #tpu.memory_space<semaphore_mem>>
        %dma_start3A = tpu.memref_slice %arg2[%add3A_107] : memref<300000xi32, #tpu.memory_space<hbm>> -> memref<1000xi32, #tpu.memory_space<hbm>>
        %dma_start3A_119 = tpu.memref_slice %arg2[%add3A_107] : memref<300000xi32, #tpu.memory_space<hbm>> -> memref<1000xi32, #tpu.memory_space<hbm>>
        tpu.enqueue_dma source(%dma_start3A_119 : memref<1000xi32, #tpu.memory_space<hbm>>) target(%arg4 : memref<1000xi32, #tpu.memory_space<vmem>>) target_semaphore(%run_scoped3A : memref<!tpu.dma_semaphore, #tpu.memory_space<semaphore_mem>>)
        %dma_wait3A = tpu.memref_slice %arg2[%add3A_107] : memref<300000xi32, #tpu.memory_space<hbm>> -> memref<1000xi32, #tpu.memory_space<hbm>>
        %dma_wait3A_120 = tpu.memref_slice %arg2[%add3A_107] : memref<300000xi32, #tpu.memory_space<hbm>> -> memref<1000xi32, #tpu.memory_space<hbm>>
        tpu.wait_dma2 semaphore(%run_scoped3A : memref<!tpu.dma_semaphore, #tpu.memory_space<semaphore_mem>>) src(%dma_wait3A_120 : memref<1000xi32, #tpu.memory_space<hbm>>) dst(%arg4 : memref<1000xi32, #tpu.memory_space<vmem>>)
        tpu.yield
      }) : () -> ()
      %scan3A = arith.constant 0 : i32
      %scan3A_108 = arith.constant 0 : i32
      %scan3A_109 = arith.constant 500 : i32
      %scan3A_110 = arith.addi %scan3A_108, %scan3A_109 : i32
      %scan3A_111 = arith.constant 1 : i32
      scf.for %scan3A_119 = %scan3A_108 to %scan3A_110 step %scan3A_111  : i32 {
        %mul3A_120 = arith.constant 2 : i32
        %mul3A_121 = arith.muli %mul3A_120, %scan3A_119 : i32
        %add3A_122 = vector.broadcast %mul3A_121 : i32 to vector<16xi32>
        %add3A_123 = arith.addi %add3A_122, %shift_right_arithmetic3A_2 : vector<16xi32>
        %gather3A = tpu.vector_load_idx %arg4[%add3A_123] : memref<1000xi32, #tpu.memory_space<vmem>>[vector<16xi32>], vector<16xi32>,
        %mul3A_124 = arith.constant 2 : i32
        %mul3A_125 = vector.broadcast %mul3A_124 : i32 to vector<16xi32>
        %mul3A_126 = arith.muli %mul3A_125, %gather3A : vector<16xi32>
        %add3A_127 = arith.addi %mul3A_126, %and3A_75 : vector<16xi32>
        %mul3A_128 = arith.constant 16 : i32
        %mul3A_129 = arith.muli %mul3A_128, %scan3A_119 : i32
        %swap3A = arith.index_cast %mul3A_129 : i32 to index
        %swap3A_130 = tpu.vector_load %arg5[%swap3A] {strides = array<i32>} : memref<8000xi32, #tpu.memory_space<vmem>>, vector<16xi32>,
        tpu.vector_store %arg5[%swap3A], %add3A_127 {strides = array<i32>} : memref<8000xi32, #tpu.memory_space<vmem>>, vector<16xi32>,
      }
      %scan3A_112 = arith.constant 500 : i32
      %mul3A_113 = arith.constant 8 : i32
      %mul3A_114 = arith.muli %add3A_77, %mul3A_113 : i32
      %mul3A_115 = arith.constant 1000 : i32
      %mul3A_116 = arith.muli %mul3A_114, %mul3A_115 : i32
      %add3A_117 = arith.constant 1600000 : i32
      %add3A_118 = arith.addi %add3A_117, %mul3A_116 : i32
      "tpu.region"() ({
        %run_scoped3A = tpu.sem_alloc : memref<!tpu.dma_semaphore, #tpu.memory_space<semaphore_mem>>
        %dma_start3A = tpu.memref_slice %arg3[%add3A_118] : memref<2400000xi32, #tpu.memory_space<hbm>> -> memref<8000xi32, #tpu.memory_space<hbm>>
        %dma_start3A_119 = tpu.memref_slice %arg3[%add3A_118] : memref<2400000xi32, #tpu.memory_space<hbm>> -> memref<8000xi32, #tpu.memory_space<hbm>>
        tpu.enqueue_dma source(%arg5 : memref<8000xi32, #tpu.memory_space<vmem>>) target(%dma_start3A_119 : memref<8000xi32, #tpu.memory_space<hbm>>) target_semaphore(%run_scoped3A : memref<!tpu.dma_semaphore, #tpu.memory_space<semaphore_mem>>)
        %dma_wait3A = tpu.memref_slice %arg3[%add3A_118] : memref<2400000xi32, #tpu.memory_space<hbm>> -> memref<8000xi32, #tpu.memory_space<hbm>>
        %dma_wait3A_120 = tpu.memref_slice %arg3[%add3A_118] : memref<2400000xi32, #tpu.memory_space<hbm>> -> memref<8000xi32, #tpu.memory_space<hbm>>
        tpu.wait_dma2 semaphore(%run_scoped3A : memref<!tpu.dma_semaphore, #tpu.memory_space<semaphore_mem>>) src(%arg5 : memref<8000xi32, #tpu.memory_space<vmem>>) dst(%dma_wait3A_120 : memref<8000xi32, #tpu.memory_space<hbm>>)
        tpu.yield
      }) : () -> ()
    } else {
    }
    %add3A_83 = arith.constant 32 : i32
    %add3A_84 = arith.addi %add3A, %add3A_83 : i32
    %lt3A_85 = arith.constant 100 : i32
    %lt3A_86 = arith.cmpi slt, %add3A_84, %lt3A_85 : i32
    %convert_element_type3A_87 = arith.extui %lt3A_86 : i1 to i32
    %cond3A_88 = arith.constant 0 : i32
    %cond3A_89 = arith.cmpi ne, %convert_element_type3A_87, %cond3A_88 : i32
    scf.if %cond3A_89 {
      %mul3A_104 = arith.constant 1000 : i32
      %mul3A_105 = arith.muli %add3A_84, %mul3A_104 : i32
      %add3A_106 = arith.constant 200000 : i32
      %add3A_107 = arith.addi %add3A_106, %mul3A_105 : i32
      "tpu.region"() ({
        %run_scoped3A = tpu.sem_alloc : memref<!tpu.dma_semaphore, #tpu.memory_space<semaphore_mem>>
        %dma_start3A = tpu.memref_slice %arg2[%add3A_107] : memref<300000xi32, #tpu.memory_space<hbm>> -> memref<1000xi32, #tpu.memory_space<hbm>>
        %dma_start3A_119 = tpu.memref_slice %arg2[%add3A_107] : memref<300000xi32, #tpu.memory_space<hbm>> -> memref<1000xi32, #tpu.memory_space<hbm>>
        tpu.enqueue_dma source(%dma_start3A_119 : memref<1000xi32, #tpu.memory_space<hbm>>) target(%arg4 : memref<1000xi32, #tpu.memory_space<vmem>>) target_semaphore(%run_scoped3A : memref<!tpu.dma_semaphore, #tpu.memory_space<semaphore_mem>>)
        %dma_wait3A = tpu.memref_slice %arg2[%add3A_107] : memref<300000xi32, #tpu.memory_space<hbm>> -> memref<1000xi32, #tpu.memory_space<hbm>>
        %dma_wait3A_120 = tpu.memref_slice %arg2[%add3A_107] : memref<300000xi32, #tpu.memory_space<hbm>> -> memref<1000xi32, #tpu.memory_space<hbm>>
        tpu.wait_dma2 semaphore(%run_scoped3A : memref<!tpu.dma_semaphore, #tpu.memory_space<semaphore_mem>>) src(%dma_wait3A_120 : memref<1000xi32, #tpu.memory_space<hbm>>) dst(%arg4 : memref<1000xi32, #tpu.memory_space<vmem>>)
        tpu.yield
      }) : () -> ()
      %scan3A = arith.constant 0 : i32
      %scan3A_108 = arith.constant 0 : i32
      %scan3A_109 = arith.constant 500 : i32
      %scan3A_110 = arith.addi %scan3A_108, %scan3A_109 : i32
      %scan3A_111 = arith.constant 1 : i32
      scf.for %scan3A_119 = %scan3A_108 to %scan3A_110 step %scan3A_111  : i32 {
        %mul3A_120 = arith.constant 2 : i32
        %mul3A_121 = arith.muli %mul3A_120, %scan3A_119 : i32
        %add3A_122 = vector.broadcast %mul3A_121 : i32 to vector<16xi32>
        %add3A_123 = arith.addi %add3A_122, %shift_right_arithmetic3A_2 : vector<16xi32>
        %gather3A = tpu.vector_load_idx %arg4[%add3A_123] : memref<1000xi32, #tpu.memory_space<vmem>>[vector<16xi32>], vector<16xi32>,
        %mul3A_124 = arith.constant 2 : i32
        %mul3A_125 = vector.broadcast %mul3A_124 : i32 to vector<16xi32>
        %mul3A_126 = arith.muli %mul3A_125, %gather3A : vector<16xi32>
        %add3A_127 = arith.addi %mul3A_126, %and3A_75 : vector<16xi32>
        %mul3A_128 = arith.constant 16 : i32
        %mul3A_129 = arith.muli %mul3A_128, %scan3A_119 : i32
        %swap3A = arith.index_cast %mul3A_129 : i32 to index
        %swap3A_130 = tpu.vector_load %arg5[%swap3A] {strides = array<i32>} : memref<8000xi32, #tpu.memory_space<vmem>>, vector<16xi32>,
        tpu.vector_store %arg5[%swap3A], %add3A_127 {strides = array<i32>} : memref<8000xi32, #tpu.memory_space<vmem>>, vector<16xi32>,
      }
      %scan3A_112 = arith.constant 500 : i32
      %mul3A_113 = arith.constant 8 : i32
      %mul3A_114 = arith.muli %add3A_84, %mul3A_113 : i32
      %mul3A_115 = arith.constant 1000 : i32
      %mul3A_116 = arith.muli %mul3A_114, %mul3A_115 : i32
      %add3A_117 = arith.constant 1600000 : i32
      %add3A_118 = arith.addi %add3A_117, %mul3A_116 : i32
      "tpu.region"() ({
        %run_scoped3A = tpu.sem_alloc : memref<!tpu.dma_semaphore, #tpu.memory_space<semaphore_mem>>
        %dma_start3A = tpu.memref_slice %arg3[%add3A_118] : memref<2400000xi32, #tpu.memory_space<hbm>> -> memref<8000xi32, #tpu.memory_space<hbm>>
        %dma_start3A_119 = tpu.memref_slice %arg3[%add3A_118] : memref<2400000xi32, #tpu.memory_space<hbm>> -> memref<8000xi32, #tpu.memory_space<hbm>>
        tpu.enqueue_dma source(%arg5 : memref<8000xi32, #tpu.memory_space<vmem>>) target(%dma_start3A_119 : memref<8000xi32, #tpu.memory_space<hbm>>) target_semaphore(%run_scoped3A : memref<!tpu.dma_semaphore, #tpu.memory_space<semaphore_mem>>)
        %dma_wait3A = tpu.memref_slice %arg3[%add3A_118] : memref<2400000xi32, #tpu.memory_space<hbm>> -> memref<8000xi32, #tpu.memory_space<hbm>>
        %dma_wait3A_120 = tpu.memref_slice %arg3[%add3A_118] : memref<2400000xi32, #tpu.memory_space<hbm>> -> memref<8000xi32, #tpu.memory_space<hbm>>
        tpu.wait_dma2 semaphore(%run_scoped3A : memref<!tpu.dma_semaphore, #tpu.memory_space<semaphore_mem>>) src(%arg5 : memref<8000xi32, #tpu.memory_space<vmem>>) dst(%dma_wait3A_120 : memref<8000xi32, #tpu.memory_space<hbm>>)
        tpu.yield
      }) : () -> ()
    } else {
    }
    %add3A_90 = arith.constant 64 : i32
    %add3A_91 = arith.addi %add3A, %add3A_90 : i32
    %lt3A_92 = arith.constant 100 : i32
    %lt3A_93 = arith.cmpi slt, %add3A_91, %lt3A_92 : i32
    %convert_element_type3A_94 = arith.extui %lt3A_93 : i1 to i32
    %cond3A_95 = arith.constant 0 : i32
    %cond3A_96 = arith.cmpi ne, %convert_element_type3A_94, %cond3A_95 : i32
    scf.if %cond3A_96 {
      %mul3A_104 = arith.constant 1000 : i32
      %mul3A_105 = arith.muli %add3A_91, %mul3A_104 : i32
      %add3A_106 = arith.constant 200000 : i32
      %add3A_107 = arith.addi %add3A_106, %mul3A_105 : i32
      "tpu.region"() ({
        %run_scoped3A = tpu.sem_alloc : memref<!tpu.dma_semaphore, #tpu.memory_space<semaphore_mem>>
        %dma_start3A = tpu.memref_slice %arg2[%add3A_107] : memref<300000xi32, #tpu.memory_space<hbm>> -> memref<1000xi32, #tpu.memory_space<hbm>>
        %dma_start3A_119 = tpu.memref_slice %arg2[%add3A_107] : memref<300000xi32, #tpu.memory_space<hbm>> -> memref<1000xi32, #tpu.memory_space<hbm>>
        tpu.enqueue_dma source(%dma_start3A_119 : memref<1000xi32, #tpu.memory_space<hbm>>) target(%arg4 : memref<1000xi32, #tpu.memory_space<vmem>>) target_semaphore(%run_scoped3A : memref<!tpu.dma_semaphore, #tpu.memory_space<semaphore_mem>>)
        %dma_wait3A = tpu.memref_slice %arg2[%add3A_107] : memref<300000xi32, #tpu.memory_space<hbm>> -> memref<1000xi32, #tpu.memory_space<hbm>>
        %dma_wait3A_120 = tpu.memref_slice %arg2[%add3A_107] : memref<300000xi32, #tpu.memory_space<hbm>> -> memref<1000xi32, #tpu.memory_space<hbm>>
        tpu.wait_dma2 semaphore(%run_scoped3A : memref<!tpu.dma_semaphore, #tpu.memory_space<semaphore_mem>>) src(%dma_wait3A_120 : memref<1000xi32, #tpu.memory_space<hbm>>) dst(%arg4 : memref<1000xi32, #tpu.memory_space<vmem>>)
        tpu.yield
      }) : () -> ()
      %scan3A = arith.constant 0 : i32
      %scan3A_108 = arith.constant 0 : i32
      %scan3A_109 = arith.constant 500 : i32
      %scan3A_110 = arith.addi %scan3A_108, %scan3A_109 : i32
      %scan3A_111 = arith.constant 1 : i32
      scf.for %scan3A_119 = %scan3A_108 to %scan3A_110 step %scan3A_111  : i32 {
        %mul3A_120 = arith.constant 2 : i32
        %mul3A_121 = arith.muli %mul3A_120, %scan3A_119 : i32
        %add3A_122 = vector.broadcast %mul3A_121 : i32 to vector<16xi32>
        %add3A_123 = arith.addi %add3A_122, %shift_right_arithmetic3A_2 : vector<16xi32>
        %gather3A = tpu.vector_load_idx %arg4[%add3A_123] : memref<1000xi32, #tpu.memory_space<vmem>>[vector<16xi32>], vector<16xi32>,
        %mul3A_124 = arith.constant 2 : i32
        %mul3A_125 = vector.broadcast %mul3A_124 : i32 to vector<16xi32>
        %mul3A_126 = arith.muli %mul3A_125, %gather3A : vector<16xi32>
        %add3A_127 = arith.addi %mul3A_126, %and3A_75 : vector<16xi32>
        %mul3A_128 = arith.constant 16 : i32
        %mul3A_129 = arith.muli %mul3A_128, %scan3A_119 : i32
        %swap3A = arith.index_cast %mul3A_129 : i32 to index
        %swap3A_130 = tpu.vector_load %arg5[%swap3A] {strides = array<i32>} : memref<8000xi32, #tpu.memory_space<vmem>>, vector<16xi32>,
        tpu.vector_store %arg5[%swap3A], %add3A_127 {strides = array<i32>} : memref<8000xi32, #tpu.memory_space<vmem>>, vector<16xi32>,
      }
      %scan3A_112 = arith.constant 500 : i32
      %mul3A_113 = arith.constant 8 : i32
      %mul3A_114 = arith.muli %add3A_91, %mul3A_113 : i32
      %mul3A_115 = arith.constant 1000 : i32
      %mul3A_116 = arith.muli %mul3A_114, %mul3A_115 : i32
      %add3A_117 = arith.constant 1600000 : i32
      %add3A_118 = arith.addi %add3A_117, %mul3A_116 : i32
      "tpu.region"() ({
        %run_scoped3A = tpu.sem_alloc : memref<!tpu.dma_semaphore, #tpu.memory_space<semaphore_mem>>
        %dma_start3A = tpu.memref_slice %arg3[%add3A_118] : memref<2400000xi32, #tpu.memory_space<hbm>> -> memref<8000xi32, #tpu.memory_space<hbm>>
        %dma_start3A_119 = tpu.memref_slice %arg3[%add3A_118] : memref<2400000xi32, #tpu.memory_space<hbm>> -> memref<8000xi32, #tpu.memory_space<hbm>>
        tpu.enqueue_dma source(%arg5 : memref<8000xi32, #tpu.memory_space<vmem>>) target(%dma_start3A_119 : memref<8000xi32, #tpu.memory_space<hbm>>) target_semaphore(%run_scoped3A : memref<!tpu.dma_semaphore, #tpu.memory_space<semaphore_mem>>)
        %dma_wait3A = tpu.memref_slice %arg3[%add3A_118] : memref<2400000xi32, #tpu.memory_space<hbm>> -> memref<8000xi32, #tpu.memory_space<hbm>>
        %dma_wait3A_120 = tpu.memref_slice %arg3[%add3A_118] : memref<2400000xi32, #tpu.memory_space<hbm>> -> memref<8000xi32, #tpu.memory_space<hbm>>
        tpu.wait_dma2 semaphore(%run_scoped3A : memref<!tpu.dma_semaphore, #tpu.memory_space<semaphore_mem>>) src(%arg5 : memref<8000xi32, #tpu.memory_space<vmem>>) dst(%dma_wait3A_120 : memref<8000xi32, #tpu.memory_space<hbm>>)
        tpu.yield
      }) : () -> ()
    } else {
    }
    %add3A_97 = arith.constant 96 : i32
    %add3A_98 = arith.addi %add3A, %add3A_97 : i32
    %lt3A_99 = arith.constant 100 : i32
    %lt3A_100 = arith.cmpi slt, %add3A_98, %lt3A_99 : i32
    %convert_element_type3A_101 = arith.extui %lt3A_100 : i1 to i32
    %cond3A_102 = arith.constant 0 : i32
    %cond3A_103 = arith.cmpi ne, %convert_element_type3A_101, %cond3A_102 : i32
    scf.if %cond3A_103 {
      %mul3A_104 = arith.constant 1000 : i32
      %mul3A_105 = arith.muli %add3A_98, %mul3A_104 : i32
      %add3A_106 = arith.constant 200000 : i32
      %add3A_107 = arith.addi %add3A_106, %mul3A_105 : i32
      "tpu.region"() ({
        %run_scoped3A = tpu.sem_alloc : memref<!tpu.dma_semaphore, #tpu.memory_space<semaphore_mem>>
        %dma_start3A = tpu.memref_slice %arg2[%add3A_107] : memref<300000xi32, #tpu.memory_space<hbm>> -> memref<1000xi32, #tpu.memory_space<hbm>>
        %dma_start3A_119 = tpu.memref_slice %arg2[%add3A_107] : memref<300000xi32, #tpu.memory_space<hbm>> -> memref<1000xi32, #tpu.memory_space<hbm>>
        tpu.enqueue_dma source(%dma_start3A_119 : memref<1000xi32, #tpu.memory_space<hbm>>) target(%arg4 : memref<1000xi32, #tpu.memory_space<vmem>>) target_semaphore(%run_scoped3A : memref<!tpu.dma_semaphore, #tpu.memory_space<semaphore_mem>>)
        %dma_wait3A = tpu.memref_slice %arg2[%add3A_107] : memref<300000xi32, #tpu.memory_space<hbm>> -> memref<1000xi32, #tpu.memory_space<hbm>>
        %dma_wait3A_120 = tpu.memref_slice %arg2[%add3A_107] : memref<300000xi32, #tpu.memory_space<hbm>> -> memref<1000xi32, #tpu.memory_space<hbm>>
        tpu.wait_dma2 semaphore(%run_scoped3A : memref<!tpu.dma_semaphore, #tpu.memory_space<semaphore_mem>>) src(%dma_wait3A_120 : memref<1000xi32, #tpu.memory_space<hbm>>) dst(%arg4 : memref<1000xi32, #tpu.memory_space<vmem>>)
        tpu.yield
      }) : () -> ()
      %scan3A = arith.constant 0 : i32
      %scan3A_108 = arith.constant 0 : i32
      %scan3A_109 = arith.constant 500 : i32
      %scan3A_110 = arith.addi %scan3A_108, %scan3A_109 : i32
      %scan3A_111 = arith.constant 1 : i32
      scf.for %scan3A_119 = %scan3A_108 to %scan3A_110 step %scan3A_111  : i32 {
        %mul3A_120 = arith.constant 2 : i32
        %mul3A_121 = arith.muli %mul3A_120, %scan3A_119 : i32
        %add3A_122 = vector.broadcast %mul3A_121 : i32 to vector<16xi32>
        %add3A_123 = arith.addi %add3A_122, %shift_right_arithmetic3A_2 : vector<16xi32>
        %gather3A = tpu.vector_load_idx %arg4[%add3A_123] : memref<1000xi32, #tpu.memory_space<vmem>>[vector<16xi32>], vector<16xi32>,
        %mul3A_124 = arith.constant 2 : i32
        %mul3A_125 = vector.broadcast %mul3A_124 : i32 to vector<16xi32>
        %mul3A_126 = arith.muli %mul3A_125, %gather3A : vector<16xi32>
        %add3A_127 = arith.addi %mul3A_126, %and3A_75 : vector<16xi32>
        %mul3A_128 = arith.constant 16 : i32
        %mul3A_129 = arith.muli %mul3A_128, %scan3A_119 : i32
        %swap3A = arith.index_cast %mul3A_129 : i32 to index
        %swap3A_130 = tpu.vector_load %arg5[%swap3A] {strides = array<i32>} : memref<8000xi32, #tpu.memory_space<vmem>>, vector<16xi32>,
        tpu.vector_store %arg5[%swap3A], %add3A_127 {strides = array<i32>} : memref<8000xi32, #tpu.memory_space<vmem>>, vector<16xi32>,
      }
      %scan3A_112 = arith.constant 500 : i32
      %mul3A_113 = arith.constant 8 : i32
      %mul3A_114 = arith.muli %add3A_98, %mul3A_113 : i32
      %mul3A_115 = arith.constant 1000 : i32
      %mul3A_116 = arith.muli %mul3A_114, %mul3A_115 : i32
      %add3A_117 = arith.constant 1600000 : i32
      %add3A_118 = arith.addi %add3A_117, %mul3A_116 : i32
      "tpu.region"() ({
        %run_scoped3A = tpu.sem_alloc : memref<!tpu.dma_semaphore, #tpu.memory_space<semaphore_mem>>
        %dma_start3A = tpu.memref_slice %arg3[%add3A_118] : memref<2400000xi32, #tpu.memory_space<hbm>> -> memref<8000xi32, #tpu.memory_space<hbm>>
        %dma_start3A_119 = tpu.memref_slice %arg3[%add3A_118] : memref<2400000xi32, #tpu.memory_space<hbm>> -> memref<8000xi32, #tpu.memory_space<hbm>>
        tpu.enqueue_dma source(%arg5 : memref<8000xi32, #tpu.memory_space<vmem>>) target(%dma_start3A_119 : memref<8000xi32, #tpu.memory_space<hbm>>) target_semaphore(%run_scoped3A : memref<!tpu.dma_semaphore, #tpu.memory_space<semaphore_mem>>)
        %dma_wait3A = tpu.memref_slice %arg3[%add3A_118] : memref<2400000xi32, #tpu.memory_space<hbm>> -> memref<8000xi32, #tpu.memory_space<hbm>>
        %dma_wait3A_120 = tpu.memref_slice %arg3[%add3A_118] : memref<2400000xi32, #tpu.memory_space<hbm>> -> memref<8000xi32, #tpu.memory_space<hbm>>
        tpu.wait_dma2 semaphore(%run_scoped3A : memref<!tpu.dma_semaphore, #tpu.memory_space<semaphore_mem>>) src(%arg5 : memref<8000xi32, #tpu.memory_space<vmem>>) dst(%dma_wait3A_120 : memref<8000xi32, #tpu.memory_space<hbm>>)
        tpu.yield
      }) : () -> ()
    } else {
    }
    return
  }
}

module attributes {stable_mosaic.version = 14 : i64} {
  func.func @_tc_body(%arg0: i32, %arg1: memref<128x1024xf32, #tpu.memory_space<vmem>>, %arg2: memref<64x2048xf32, #tpu.memory_space<vmem>>, %arg3: memref<64x16384xf32, #tpu.memory_space<vmem>>) attributes {dimension_semantics = [#tpu.dimension_semantics<arbitrary>], iteration_bounds = array<i64: 49>, scalar_prefetch = 0 : i64, scratch_operands = 0 : i64, tpu.core_type = #tpu.core_type<tc>, window_params = [{pipeline_mode = #tpu.pipeline_mode<synchronous>, transform_indices = @transform_0, window_bounds = array<i64: 128, 1024>}, {transform_indices = @transform_1, window_bounds = array<i64: 64, 2048>}, {transform_indices = @transform_2, window_bounds = array<i64: 64, 16384>}]} {
    %get3A = arith.constant 0 : index
    %get3A_0 = arith.constant 0 : index
    %get3A_1 = vector.load %arg2[%get3A, %get3A_0] : memref<64x2048xf32, #tpu.memory_space<vmem>>, vector<64x2048xf32>
    %get3A_2 = arith.constant 0 : index
    %get3A_3 = arith.constant 0 : index
    %get3A_4 = vector.load %arg1[%get3A_2, %get3A_3] : memref<128x1024xf32, #tpu.memory_space<vmem>>, vector<128x1024xf32>
    %slice3A = vector.extract_strided_slice %get3A_1 {offsets = [0, 0], sizes = [64, 128], strides = [1, 1]} : vector<64x2048xf32> to vector<64x128xf32>
    %dot_general3A = arith.constant dense<0.000000e+00> : vector<64x1024xf32>
    %dot_general3A_5 = tpu.matmul %slice3A, %get3A_4, %dot_general3A {dimension_numbers = #tpu.dot_dimension_numbers<[1], [0], [0], [1], [0, 0, 1, 1], [], []>, transpose_lhs_hint = false} : vector<64x128xf32>, vector<128x1024xf32>, vector<64x1024xf32> -> vector<64x1024xf32>
    %swap3A = arith.constant 0 : index
    %swap3A_6 = arith.constant 0 : index
    %swap3A_7 = vector.load %arg3[%swap3A, %swap3A_6] : memref<64x16384xf32, #tpu.memory_space<vmem>>, vector<64x1024xf32>
    tpu.vector_store %arg3[%swap3A, %swap3A_6], %dot_general3A_5 {strides = array<i32>} : memref<64x16384xf32, #tpu.memory_space<vmem>>, vector<64x1024xf32>,
    %slice3A_8 = vector.extract_strided_slice %get3A_1 {offsets = [0, 128], sizes = [64, 128], strides = [1, 1]} : vector<64x2048xf32> to vector<64x128xf32>
    %dot_general3A_9 = arith.constant dense<0.000000e+00> : vector<64x1024xf32>
    %dot_general3A_10 = tpu.matmul %slice3A_8, %get3A_4, %dot_general3A_9 {dimension_numbers = #tpu.dot_dimension_numbers<[1], [0], [0], [1], [0, 0, 1, 1], [], []>, transpose_lhs_hint = false} : vector<64x128xf32>, vector<128x1024xf32>, vector<64x1024xf32> -> vector<64x1024xf32>
    %swap3A_11 = arith.constant 0 : index
    %swap3A_12 = arith.constant 1024 : index
    %swap3A_13 = vector.load %arg3[%swap3A_11, %swap3A_12] : memref<64x16384xf32, #tpu.memory_space<vmem>>, vector<64x1024xf32>
    tpu.vector_store %arg3[%swap3A_11, %swap3A_12], %dot_general3A_10 {strides = array<i32>} : memref<64x16384xf32, #tpu.memory_space<vmem>>, vector<64x1024xf32>,
    %slice3A_14 = vector.extract_strided_slice %get3A_1 {offsets = [0, 256], sizes = [64, 128], strides = [1, 1]} : vector<64x2048xf32> to vector<64x128xf32>
    %dot_general3A_15 = arith.constant dense<0.000000e+00> : vector<64x1024xf32>
    %dot_general3A_16 = tpu.matmul %slice3A_14, %get3A_4, %dot_general3A_15 {dimension_numbers = #tpu.dot_dimension_numbers<[1], [0], [0], [1], [0, 0, 1, 1], [], []>, transpose_lhs_hint = false} : vector<64x128xf32>, vector<128x1024xf32>, vector<64x1024xf32> -> vector<64x1024xf32>
    %swap3A_17 = arith.constant 0 : index
    %swap3A_18 = arith.constant 2048 : index
    %swap3A_19 = vector.load %arg3[%swap3A_17, %swap3A_18] : memref<64x16384xf32, #tpu.memory_space<vmem>>, vector<64x1024xf32>
    tpu.vector_store %arg3[%swap3A_17, %swap3A_18], %dot_general3A_16 {strides = array<i32>} : memref<64x16384xf32, #tpu.memory_space<vmem>>, vector<64x1024xf32>,
    %slice3A_20 = vector.extract_strided_slice %get3A_1 {offsets = [0, 384], sizes = [64, 128], strides = [1, 1]} : vector<64x2048xf32> to vector<64x128xf32>
    %dot_general3A_21 = arith.constant dense<0.000000e+00> : vector<64x1024xf32>
    %dot_general3A_22 = tpu.matmul %slice3A_20, %get3A_4, %dot_general3A_21 {dimension_numbers = #tpu.dot_dimension_numbers<[1], [0], [0], [1], [0, 0, 1, 1], [], []>, transpose_lhs_hint = false} : vector<64x128xf32>, vector<128x1024xf32>, vector<64x1024xf32> -> vector<64x1024xf32>
    %swap3A_23 = arith.constant 0 : index
    %swap3A_24 = arith.constant 3072 : index
    %swap3A_25 = vector.load %arg3[%swap3A_23, %swap3A_24] : memref<64x16384xf32, #tpu.memory_space<vmem>>, vector<64x1024xf32>
    tpu.vector_store %arg3[%swap3A_23, %swap3A_24], %dot_general3A_22 {strides = array<i32>} : memref<64x16384xf32, #tpu.memory_space<vmem>>, vector<64x1024xf32>,
    %slice3A_26 = vector.extract_strided_slice %get3A_1 {offsets = [0, 512], sizes = [64, 128], strides = [1, 1]} : vector<64x2048xf32> to vector<64x128xf32>
    %dot_general3A_27 = arith.constant dense<0.000000e+00> : vector<64x1024xf32>
    %dot_general3A_28 = tpu.matmul %slice3A_26, %get3A_4, %dot_general3A_27 {dimension_numbers = #tpu.dot_dimension_numbers<[1], [0], [0], [1], [0, 0, 1, 1], [], []>, transpose_lhs_hint = false} : vector<64x128xf32>, vector<128x1024xf32>, vector<64x1024xf32> -> vector<64x1024xf32>
    %swap3A_29 = arith.constant 0 : index
    %swap3A_30 = arith.constant 4096 : index
    %swap3A_31 = vector.load %arg3[%swap3A_29, %swap3A_30] : memref<64x16384xf32, #tpu.memory_space<vmem>>, vector<64x1024xf32>
    tpu.vector_store %arg3[%swap3A_29, %swap3A_30], %dot_general3A_28 {strides = array<i32>} : memref<64x16384xf32, #tpu.memory_space<vmem>>, vector<64x1024xf32>,
    %slice3A_32 = vector.extract_strided_slice %get3A_1 {offsets = [0, 640], sizes = [64, 128], strides = [1, 1]} : vector<64x2048xf32> to vector<64x128xf32>
    %dot_general3A_33 = arith.constant dense<0.000000e+00> : vector<64x1024xf32>
    %dot_general3A_34 = tpu.matmul %slice3A_32, %get3A_4, %dot_general3A_33 {dimension_numbers = #tpu.dot_dimension_numbers<[1], [0], [0], [1], [0, 0, 1, 1], [], []>, transpose_lhs_hint = false} : vector<64x128xf32>, vector<128x1024xf32>, vector<64x1024xf32> -> vector<64x1024xf32>
    %swap3A_35 = arith.constant 0 : index
    %swap3A_36 = arith.constant 5120 : index
    %swap3A_37 = vector.load %arg3[%swap3A_35, %swap3A_36] : memref<64x16384xf32, #tpu.memory_space<vmem>>, vector<64x1024xf32>
    tpu.vector_store %arg3[%swap3A_35, %swap3A_36], %dot_general3A_34 {strides = array<i32>} : memref<64x16384xf32, #tpu.memory_space<vmem>>, vector<64x1024xf32>,
    %slice3A_38 = vector.extract_strided_slice %get3A_1 {offsets = [0, 768], sizes = [64, 128], strides = [1, 1]} : vector<64x2048xf32> to vector<64x128xf32>
    %dot_general3A_39 = arith.constant dense<0.000000e+00> : vector<64x1024xf32>
    %dot_general3A_40 = tpu.matmul %slice3A_38, %get3A_4, %dot_general3A_39 {dimension_numbers = #tpu.dot_dimension_numbers<[1], [0], [0], [1], [0, 0, 1, 1], [], []>, transpose_lhs_hint = false} : vector<64x128xf32>, vector<128x1024xf32>, vector<64x1024xf32> -> vector<64x1024xf32>
    %swap3A_41 = arith.constant 0 : index
    %swap3A_42 = arith.constant 6144 : index
    %swap3A_43 = vector.load %arg3[%swap3A_41, %swap3A_42] : memref<64x16384xf32, #tpu.memory_space<vmem>>, vector<64x1024xf32>
    tpu.vector_store %arg3[%swap3A_41, %swap3A_42], %dot_general3A_40 {strides = array<i32>} : memref<64x16384xf32, #tpu.memory_space<vmem>>, vector<64x1024xf32>,
    %slice3A_44 = vector.extract_strided_slice %get3A_1 {offsets = [0, 896], sizes = [64, 128], strides = [1, 1]} : vector<64x2048xf32> to vector<64x128xf32>
    %dot_general3A_45 = arith.constant dense<0.000000e+00> : vector<64x1024xf32>
    %dot_general3A_46 = tpu.matmul %slice3A_44, %get3A_4, %dot_general3A_45 {dimension_numbers = #tpu.dot_dimension_numbers<[1], [0], [0], [1], [0, 0, 1, 1], [], []>, transpose_lhs_hint = false} : vector<64x128xf32>, vector<128x1024xf32>, vector<64x1024xf32> -> vector<64x1024xf32>
    %swap3A_47 = arith.constant 0 : index
    %swap3A_48 = arith.constant 7168 : index
    %swap3A_49 = vector.load %arg3[%swap3A_47, %swap3A_48] : memref<64x16384xf32, #tpu.memory_space<vmem>>, vector<64x1024xf32>
    tpu.vector_store %arg3[%swap3A_47, %swap3A_48], %dot_general3A_46 {strides = array<i32>} : memref<64x16384xf32, #tpu.memory_space<vmem>>, vector<64x1024xf32>,
    %slice3A_50 = vector.extract_strided_slice %get3A_1 {offsets = [0, 1024], sizes = [64, 128], strides = [1, 1]} : vector<64x2048xf32> to vector<64x128xf32>
    %dot_general3A_51 = arith.constant dense<0.000000e+00> : vector<64x1024xf32>
    %dot_general3A_52 = tpu.matmul %slice3A_50, %get3A_4, %dot_general3A_51 {dimension_numbers = #tpu.dot_dimension_numbers<[1], [0], [0], [1], [0, 0, 1, 1], [], []>, transpose_lhs_hint = false} : vector<64x128xf32>, vector<128x1024xf32>, vector<64x1024xf32> -> vector<64x1024xf32>
    %swap3A_53 = arith.constant 0 : index
    %swap3A_54 = arith.constant 8192 : index
    %swap3A_55 = vector.load %arg3[%swap3A_53, %swap3A_54] : memref<64x16384xf32, #tpu.memory_space<vmem>>, vector<64x1024xf32>
    tpu.vector_store %arg3[%swap3A_53, %swap3A_54], %dot_general3A_52 {strides = array<i32>} : memref<64x16384xf32, #tpu.memory_space<vmem>>, vector<64x1024xf32>,
    %slice3A_56 = vector.extract_strided_slice %get3A_1 {offsets = [0, 1152], sizes = [64, 128], strides = [1, 1]} : vector<64x2048xf32> to vector<64x128xf32>
    %dot_general3A_57 = arith.constant dense<0.000000e+00> : vector<64x1024xf32>
    %dot_general3A_58 = tpu.matmul %slice3A_56, %get3A_4, %dot_general3A_57 {dimension_numbers = #tpu.dot_dimension_numbers<[1], [0], [0], [1], [0, 0, 1, 1], [], []>, transpose_lhs_hint = false} : vector<64x128xf32>, vector<128x1024xf32>, vector<64x1024xf32> -> vector<64x1024xf32>
    %swap3A_59 = arith.constant 0 : index
    %swap3A_60 = arith.constant 9216 : index
    %swap3A_61 = vector.load %arg3[%swap3A_59, %swap3A_60] : memref<64x16384xf32, #tpu.memory_space<vmem>>, vector<64x1024xf32>
    tpu.vector_store %arg3[%swap3A_59, %swap3A_60], %dot_general3A_58 {strides = array<i32>} : memref<64x16384xf32, #tpu.memory_space<vmem>>, vector<64x1024xf32>,
    %slice3A_62 = vector.extract_strided_slice %get3A_1 {offsets = [0, 1280], sizes = [64, 128], strides = [1, 1]} : vector<64x2048xf32> to vector<64x128xf32>
    %dot_general3A_63 = arith.constant dense<0.000000e+00> : vector<64x1024xf32>
    %dot_general3A_64 = tpu.matmul %slice3A_62, %get3A_4, %dot_general3A_63 {dimension_numbers = #tpu.dot_dimension_numbers<[1], [0], [0], [1], [0, 0, 1, 1], [], []>, transpose_lhs_hint = false} : vector<64x128xf32>, vector<128x1024xf32>, vector<64x1024xf32> -> vector<64x1024xf32>
    %swap3A_65 = arith.constant 0 : index
    %swap3A_66 = arith.constant 10240 : index
    %swap3A_67 = vector.load %arg3[%swap3A_65, %swap3A_66] : memref<64x16384xf32, #tpu.memory_space<vmem>>, vector<64x1024xf32>
    tpu.vector_store %arg3[%swap3A_65, %swap3A_66], %dot_general3A_64 {strides = array<i32>} : memref<64x16384xf32, #tpu.memory_space<vmem>>, vector<64x1024xf32>,
    %slice3A_68 = vector.extract_strided_slice %get3A_1 {offsets = [0, 1408], sizes = [64, 128], strides = [1, 1]} : vector<64x2048xf32> to vector<64x128xf32>
    %dot_general3A_69 = arith.constant dense<0.000000e+00> : vector<64x1024xf32>
    %dot_general3A_70 = tpu.matmul %slice3A_68, %get3A_4, %dot_general3A_69 {dimension_numbers = #tpu.dot_dimension_numbers<[1], [0], [0], [1], [0, 0, 1, 1], [], []>, transpose_lhs_hint = false} : vector<64x128xf32>, vector<128x1024xf32>, vector<64x1024xf32> -> vector<64x1024xf32>
    %swap3A_71 = arith.constant 0 : index
    %swap3A_72 = arith.constant 11264 : index
    %swap3A_73 = vector.load %arg3[%swap3A_71, %swap3A_72] : memref<64x16384xf32, #tpu.memory_space<vmem>>, vector<64x1024xf32>
    tpu.vector_store %arg3[%swap3A_71, %swap3A_72], %dot_general3A_70 {strides = array<i32>} : memref<64x16384xf32, #tpu.memory_space<vmem>>, vector<64x1024xf32>,
    %slice3A_74 = vector.extract_strided_slice %get3A_1 {offsets = [0, 1536], sizes = [64, 128], strides = [1, 1]} : vector<64x2048xf32> to vector<64x128xf32>
    %dot_general3A_75 = arith.constant dense<0.000000e+00> : vector<64x1024xf32>
    %dot_general3A_76 = tpu.matmul %slice3A_74, %get3A_4, %dot_general3A_75 {dimension_numbers = #tpu.dot_dimension_numbers<[1], [0], [0], [1], [0, 0, 1, 1], [], []>, transpose_lhs_hint = false} : vector<64x128xf32>, vector<128x1024xf32>, vector<64x1024xf32> -> vector<64x1024xf32>
    %swap3A_77 = arith.constant 0 : index
    %swap3A_78 = arith.constant 12288 : index
    %swap3A_79 = vector.load %arg3[%swap3A_77, %swap3A_78] : memref<64x16384xf32, #tpu.memory_space<vmem>>, vector<64x1024xf32>
    tpu.vector_store %arg3[%swap3A_77, %swap3A_78], %dot_general3A_76 {strides = array<i32>} : memref<64x16384xf32, #tpu.memory_space<vmem>>, vector<64x1024xf32>,
    %slice3A_80 = vector.extract_strided_slice %get3A_1 {offsets = [0, 1664], sizes = [64, 128], strides = [1, 1]} : vector<64x2048xf32> to vector<64x128xf32>
    %dot_general3A_81 = arith.constant dense<0.000000e+00> : vector<64x1024xf32>
    %dot_general3A_82 = tpu.matmul %slice3A_80, %get3A_4, %dot_general3A_81 {dimension_numbers = #tpu.dot_dimension_numbers<[1], [0], [0], [1], [0, 0, 1, 1], [], []>, transpose_lhs_hint = false} : vector<64x128xf32>, vector<128x1024xf32>, vector<64x1024xf32> -> vector<64x1024xf32>
    %swap3A_83 = arith.constant 0 : index
    %swap3A_84 = arith.constant 13312 : index
    %swap3A_85 = vector.load %arg3[%swap3A_83, %swap3A_84] : memref<64x16384xf32, #tpu.memory_space<vmem>>, vector<64x1024xf32>
    tpu.vector_store %arg3[%swap3A_83, %swap3A_84], %dot_general3A_82 {strides = array<i32>} : memref<64x16384xf32, #tpu.memory_space<vmem>>, vector<64x1024xf32>,
    %slice3A_86 = vector.extract_strided_slice %get3A_1 {offsets = [0, 1792], sizes = [64, 128], strides = [1, 1]} : vector<64x2048xf32> to vector<64x128xf32>
    %dot_general3A_87 = arith.constant dense<0.000000e+00> : vector<64x1024xf32>
    %dot_general3A_88 = tpu.matmul %slice3A_86, %get3A_4, %dot_general3A_87 {dimension_numbers = #tpu.dot_dimension_numbers<[1], [0], [0], [1], [0, 0, 1, 1], [], []>, transpose_lhs_hint = false} : vector<64x128xf32>, vector<128x1024xf32>, vector<64x1024xf32> -> vector<64x1024xf32>
    %swap3A_89 = arith.constant 0 : index
    %swap3A_90 = arith.constant 14336 : index
    %swap3A_91 = vector.load %arg3[%swap3A_89, %swap3A_90] : memref<64x16384xf32, #tpu.memory_space<vmem>>, vector<64x1024xf32>
    tpu.vector_store %arg3[%swap3A_89, %swap3A_90], %dot_general3A_88 {strides = array<i32>} : memref<64x16384xf32, #tpu.memory_space<vmem>>, vector<64x1024xf32>,
    %slice3A_92 = vector.extract_strided_slice %get3A_1 {offsets = [0, 1920], sizes = [64, 128], strides = [1, 1]} : vector<64x2048xf32> to vector<64x128xf32>
    %dot_general3A_93 = arith.constant dense<0.000000e+00> : vector<64x1024xf32>
    %dot_general3A_94 = tpu.matmul %slice3A_92, %get3A_4, %dot_general3A_93 {dimension_numbers = #tpu.dot_dimension_numbers<[1], [0], [0], [1], [0, 0, 1, 1], [], []>, transpose_lhs_hint = false} : vector<64x128xf32>, vector<128x1024xf32>, vector<64x1024xf32> -> vector<64x1024xf32>
    %swap3A_95 = arith.constant 0 : index
    %swap3A_96 = arith.constant 15360 : index
    %swap3A_97 = vector.load %arg3[%swap3A_95, %swap3A_96] : memref<64x16384xf32, #tpu.memory_space<vmem>>, vector<64x1024xf32>
    tpu.vector_store %arg3[%swap3A_95, %swap3A_96], %dot_general3A_94 {strides = array<i32>} : memref<64x16384xf32, #tpu.memory_space<vmem>>, vector<64x1024xf32>,
    return
  }
  func.func @transform_0(%arg0: i32) -> (i32, i32) {
    %c0_i32 = arith.constant 0 : i32
    %c0_i32_0 = arith.constant 0 : i32
    %c0_i32_1 = arith.constant 0 : i32
    return %c0_i32, %c0_i32_0 : i32, i32
  }
  func.func @transform_1(%arg0: i32) -> (i32, i32) {
    %c0_i32 = arith.constant 0 : i32
    %c0_i32_0 = arith.constant 0 : i32
    return %c0_i32, %arg0 : i32, i32
  }
  func.func @transform_2(%arg0: i32) -> (i32, i32) {
    %c0_i32 = arith.constant 0 : i32
    %c0_i32_0 = arith.constant 0 : i32
    return %c0_i32, %arg0 : i32, i32
  }
}

</mosaic_0001>

<sc_bundles>
// kernel: kernel.4.cloned.1.call-start
scs
__scs_entry_jumppad:
0x0: {  	(pc) =	sbr.rel $0x88, $3  }
0x1: {  	(tag) =	ssettag $0x0;
	lr =	simm.s32 $0x1  }
0x2: {  	[smem:$0x3F9F] =	sst lr;
	_ =	strace $0xD0000000  }
0x3: {  	_ = 	snop  }
0x4: {  	_ = 	snop  }
0x5: {  	_ = 	snop  }
0x6: {  	_ = 	snop  }
0x7: {  	_ = 	snop  }
__scs_overlays_trampoline_lowered:
0x8: {  	[smem:$0x3FAE] =	sst s0  }
0x9: {  	[smem:$0x3FAF] =	sst s1  }
0xa: {  	[smem:$0x3FB0] =	sst s2  }
0xb: {  	[smem:$0x3FB1] =	sst s3  }
0xc: {  	[smem:$0x3FB2] =	sst s4  }
0xd: {  	[smem:$0x3FB3] =	sst s5  }
0xe: {  	[smem:$0x3FB4] =	sst s6  }
0xf: {  	[smem:$0x3FB5] =	sst s7  }
0x10: {  	[smem:$0x3FB6] =	sst s8  }
0x11: {  	[smem:$0x3FB7] =	sst s9;
	s0 =	simm.s32 @!p0 $0x0  }
0x12: {  	s1 =	sld [smem:$0x3F9D];
	s0 =	simm.s32 @p0 $0x1  }
0x13: {  	[smem:$0x3FB8] =	sst s0;
	s0 =	simm.s32 @!p1 $0x0  }
0x14: {  	s2 =	sld [smem:$0x3F9C];
	s0 =	simm.s32 @p1 $0x1  }
0x15: {  	[smem:$0x3FB9] =	sst s0;
	s0 =	simm.s32 @!p2 $0x0  }
0x16: {  	s3 =	sld [smem:$0x3FDB];
	s0 =	simm.s32 @p2 $0x1  }
0x17: {  	s4 =	simm.s32 $0x1BF5;
	[smem:$0x3FBB] =	sst s0  }
0x18: {  	s0 =	sld [smem:$0x3F9E];
	_ =	swait.ge [sflag:s4], $0x0  }
0x19: {  	s7 =	sld [smem:$0x3F9F]  }
0x1a: {  	s8 =	sadd.s32 $0xFFFFE003, lr  }
0x1b: {  	s9 =	sadd.s32 $0xFFFFFEF7, lr;
	s5 =	simm.s32 $0xFFFFFFFF;
	p2 =	slt.u32 s8, $0xFFFFF086  }
0x1c: {  	p1 =	slt.u32 s9, $0xF7A;
	s5 =	simm.s32 @!p2 $0x0  }
0x1d: {  	s5 =	simm.s32 @p1 $0x1;
	p0 =	seq.s32 s7, s2  }
0x1e: {  	s7 =	smul.u32 @!p0 $0xF7A, s2;
	p2 =	seq.s32 @!p0 s5, $0x0  }
0x1f: {  	s9 =	smul.u32 $0xF7A, s1;
	s8 =	simm.s32 @!p0 $0x1BF5;
	p2 =	por !p2, p0  }
0x20: {  	[sflag:s8] =	ssyncset.s32 @!p0 $0xFFFFF086;
	s6 =	sadd.s32 @!p0 s3, s7;
	s7 =	simm.s32 @!p0 $0x108  }
0x21: {  	s3 =	sadd.s32 s3, s9;
	s6 =	sadd.s32 @!p0 $0x88, s6;
	s7 =	simm.s32 @p2 $0x1082  }
0x22: {  	[simem:s7], [sflag:s8] =	dma.local @!p0 [hbm:s6], $0xF7A  }
0x23: {  	s9 =	sor.u32 $0xD0000000, s2;
	s6 =	simm.s32 $0x108;
	_ =	swait.ge @!p0 [sflag:s8], $0x0  }
0x24: {  	s3 =	sadd.s32 $0x88, s3;
	s6 =	simm.s32 @!p1 $0x1082;
	[sflag:s4] =	ssyncset.s32 $0xFFFFF086  }
0x25: {  	[simem:s6], [sflag:s4] =	dma.local [hbm:s3], $0xF7A  }
0x26: {  	[smem:$0x3F9F] =	sst s1;
	(tag) =	ssettag s2;
	_ =	strace s9  }
0x27: {  	s1 =	sld [smem:$0x3FAF]  }
0x28: {  	s2 =	sld [smem:$0x3FB0]  }
0x29: {  	s4 =	sld [smem:$0x3FB2]  }
0x2a: {  	p0 =	seq.s32 s5, $0x0;
	s5 =	sld [smem:$0x3FB3]  }
0x2b: {  	s6 =	sld [smem:$0x3FB4]  }
0x2c: {  	s7 =	sld [smem:$0x3FB5]  }
0x2d: {  	s3 =	simm.s32 $0x108;
	s8 =	sld [smem:$0x3FB6]  }
0x2e: {  	s3 =	simm.s32 @!p0 $0x1082;
	s9 =	sld [smem:$0x3FB7]  }
0x2f: {  	lr =	sadd.s32 s0, s3;
	s0 =	sld [smem:$0x3FAE]  }
0x30: {  	s3 =	sld [smem:$0x3FB1]  }
0x31: {  	[smem:$0x3FBA] =	sst s10  }
0x32: {  	s10 =	sld [smem:$0x3FB8];
	_ =	sdelay $0x3  }
0x33: {  	p0 =	seq.s32 s10, $0x1;
	s10 =	sld [smem:$0x3FBA];
	_ =	sdelay $0x3  }
0x34: {  	[smem:$0x3FBA] =	sst s10  }
0x35: {  	s10 =	sld [smem:$0x3FB9];
	_ =	sdelay $0x3  }
0x36: {  	p1 =	seq.s32 s10, $0x1;
	s10 =	sld [smem:$0x3FBA];
	_ =	sdelay $0x3  }
0x37: {  	[smem:$0x3FBA] =	sst s10  }
0x38: {  	s10 =	sld [smem:$0x3FBB]  }
0x39: {  	_ = 	snop;
	(pc) =	sbr.ind lr, $3  }
0x3a: {  	_ = 	snop  }
0x3b: {  	_ = 	snop  }
0x3c: {  	p2 =	seq.s32 s10, $0x1;
	s10 =	sld [smem:$0x3FBA]  }
0x3d: {  	_ =	shalt  }
0x3e: {  	_ =	shalt  }
0x3f: {  	_ =	shalt  }
0x40: {  	_ =	shalt  }
0x41: {  	_ =	shalt  }
0x42: {  	_ =	shalt  }
0x43: {  	_ =	shalt  }
0x44: {  	_ =	shalt  }
0x45: {  	_ =	shalt  }
0x46: {  	_ =	shalt  }
0x47: {  	_ =	shalt  }
0x48: {  	_ =	shalt  }
0x49: {  	_ =	shalt  }
0x4a: {  	_ =	shalt  }
0x4b: {  	_ =	shalt  }
0x4c: {  	_ =	shalt  }
0x4d: {  	_ =	shalt  }
0x4e: {  	_ =	shalt  }
0x4f: {  	_ =	shalt  }
0x50: {  	_ =	shalt  }
0x51: {  	_ =	shalt  }
0x52: {  	_ =	shalt  }
0x53: {  	_ =	shalt  }
0x54: {  	_ =	shalt  }
0x55: {  	_ =	shalt  }
0x56: {  	_ =	shalt  }
0x57: {  	_ =	shalt  }
0x58: {  	_ =	shalt  }
0x59: {  	_ =	shalt  }
0x5a: {  	_ =	shalt  }
0x5b: {  	_ =	shalt  }
0x5c: {  	_ =	shalt  }
0x5d: {  	_ =	shalt  }
0x5e: {  	_ =	shalt  }
0x5f: {  	_ =	shalt  }
0x60: {  	_ =	shalt  }
0x61: {  	_ =	shalt  }
0x62: {  	_ =	shalt  }
0x63: {  	_ =	shalt  }
0x64: {  	_ =	shalt  }
0x65: {  	_ =	shalt  }
0x66: {  	_ =	shalt  }
0x67: {  	_ =	shalt  }
0x68: {  	_ =	shalt  }
0x69: {  	_ =	shalt  }
0x6a: {  	_ =	shalt  }
0x6b: {  	_ =	shalt  }
0x6c: {  	_ =	shalt  }
0x6d: {  	_ =	shalt  }
0x6e: {  	_ =	shalt  }
0x6f: {  	_ =	shalt  }
0x70: {  	_ =	shalt  }
0x71: {  	_ =	shalt  }
0x72: {  	_ =	shalt  }
0x73: {  	_ =	shalt  }
0x74: {  	_ =	shalt  }
0x75: {  	_ =	shalt  }
0x76: {  	_ =	shalt  }
0x77: {  	_ =	shalt  }
0x78: {  	_ =	shalt  }
0x79: {  	_ =	shalt  }
0x7a: {  	_ =	shalt  }
0x7b: {  	_ =	shalt  }
0x7c: {  	_ =	shalt  }
0x7d: {  	_ =	shalt  }
0x7e: {  	_ =	shalt  }
0x7f: {  	_ =	shalt  }
0x80: {  	_ =	shalt  }
0x81: {  	_ =	shalt  }
0x82: {  	_ =	shalt  }
0x83: {  	_ =	shalt  }
0x84: {  	_ =	shalt  }
0x85: {  	_ =	shalt  }
0x86: {  	_ =	shalt  }
0x87: {  	_ =	shalt  }
.Lfunc_end0:
.L_simem_size_0:
called_computation_lowered:
.L_overlay_start_0:
0x88: {  	s2 =	sld [smem:$0x3FD9]  }
0x89: {  	s3 =	sld [smem:$0x3FFE];
	_ =	sdelay $0x1  }
0x8a: {  	s1 =	srdreg.scid  }
0x8b: {  	s0 =	sand.u32 $0x1, s1  }
0x8c: {  	s14 =	sshll.u32 s0, $0xA;
	s2 =	sadd.s32 s3, s2  }
0x8d: {  	s2 =	sadd.s32 s2, s14  }
0x8e: {  	[smem:$0x3FC6] =	sst s2  }
0x8f: {  	_ = 	snop  }
0x90: {  	s2 =	sld [smem:$0x3FD0];
	_ =	sdelay $0x2  }
0x91: {  	s15 =	simm.s32 $0xA;
	s4 =	simm.s32 $0x10  }
0x92: {  	[smem:s4], [sflag:s15] =	dma.local [hbm:s2], $0x1  }
0x93: {  	_ =	swait.eq [sflag:s15], $0x1  }
0x94: {  	[sflag:s15] =	ssyncset.done $0x0  }
0x95: {  	[sflag:s15] =	ssyncadd.s32 $0xFFFFFFFF  }
0x96: {  	s16 =	sld [smem:$0x10];
	(tm) =	ssettm $0x1  }
0x97: {  	s17 =	sld [smem:$0x3FFB];
	_ =	sdelay $0x3  }
0x98: {  	_ =	strace s17  }
0x99: {  	s3 =	sld [smem:$0x3FFC];
	_ =	sdelay $0x3  }
0x9a: {  	_ =	strace s3  }
0x9b: {  	s3 =	sld [smem:$0x3FFD];
	_ =	sdelay $0x3  }
0x9c: {  	_ =	strace s3  }
0x9d: {  	_ =	strace $0x8FFFFFFF  }
0x9e: {  	s18 =	sld [smem:$0x3FDB];
	_ =	sdelay $0x1  }
0x9f: {  	s19 =	simm.s32 $_scs_section_size  }
0xa0: {  	s5 =	simm.s32 $_size__tile_overlayer_lowered;
	s6 =	simm.s32 $_tile_overlayer_lowered  }
0xa1: {  	s22 =	simm.s32 $0x1BFF;
	s21 =	sshll.u32 s6, $0x1;
	s3 =	sadd.s32 s19, s18  }
0xa2: {  	s7 =	simm.s32 $0x0;
	s20 =	sshll.u32 s5, $0x1;
	s5 =	sadd.s32 s21, s3  }
0xa3: {  	[timem:s7], [sflag:s22] =	dma.local [hbm:s5], s20  }
0xa4: {  	_ =	swait.ge [sflag:s22], s20  }
0xa5: {  	s4 =	ssub.s32 $0x0, s20;
	[sflag:s22] =	ssyncset.done $0x0  }
0xa6: {  	[sflag:s22] =	ssyncadd.s32 s4;
	_ =	sdelay $0x1  }
0xa7: {  	s23 =	simm.s32 $0x1B8B  }
0xa8: {  	_ =	swait.ge [sflag:s23], $0x1  }
0xa9: {  	[sflag:s23] =	ssyncset.done $0x0  }
0xaa: {  	s25 =	simm.s32 $0x1B8E;
	s24 =	sld [smem:$0x3FFE];
	[sflag:s23] =	ssyncadd.s32 $0xFFFFFFFF  }
0xab: {  	s26 =	simm.s32 $execute0_lowered;
	[smem:$0x3FD2] =	sst s25  }
0xac: {  	s5 =	sshll.u32 s26, $0x1;
	_ =	strace $0x80000046;
	[dreg:$0x1] =	wrdreg $0xFFFFFFFF  }
0xad: {  	s28 =	simm.s32 $_size_execute0_lowered;
	s3 =	sadd.s32 s3, s5;
	[dreg:$0x0] =	wrdreg $0x0  }
0xae: {  	s5 =	sshll.u32 s28, $0x1;
	[dreg:$0x2] =	wrdreg s3  }
0xaf: {  	[dreg:$0x3] =	wrdreg s5  }
0xb0: {  	[dreg:$0x4] =	wrdreg $0xC0  }
0xb1: {  	_ =	task [dreg:s7], $0x5FFFF  }
0xb2: {  	[dreg:$0x1] =	wrdreg $0xFFFFFFFF  }
0xb3: {  	[dreg:$0x0] =	wrdreg $0x60  }
0xb4: {  	[dreg:$0x2] =	wrdreg s16  }
0xb5: {  	[dreg:$0x3] =	wrdreg s24  }
0xb6: {  	[dreg:$0x4] =	wrdreg $0x9  }
0xb7: {  	_ =	task.clear_ibuf [dreg:s7], $0x5FFFF;
	_ =	strace $0x90000046  }
0xb8: {  	s29 =	simm.s32 $0x9;
	_ =	strace $0x80000048  }
0xb9: {  	_ =	swait.ge [sflag:s29], $0x1  }
0xba: {  	[sflag:s29] =	ssyncadd.s32 $0xFFFFFFFF  }
0xbb: {  	_ =	strace $0x90000048  }
0xbc: {  	_ =	sfence  }
0xbd: {  	s30 =	sld [smem:$0x0];
	_ =	sdelay $0x2  }
0xbe: {  	s31 =	sshll.u32 s1, $0xD;
	s1 =	sshrl.u32 s1, $0x2  }
0xbf: {  	s3 =	sand.u32 $0x4000, s31;
	s1 =	sadd.s32 s1, s30  }
0xc0: {  	s0 =	sor.u32 s3, s0;
	s1 =	sshll.u32 s1, $0x11  }
0xc1: {  	s0 =	sor.u32 s1, s0  }
0xc2: {  	s0 =	sadd.s32 $0x8F2B, s0  }
0xc3: {  	[sflag:s0] =	ssyncadd.remote.s32 $0x1  }
0xc4: {  	_ =	sfence.sel $0xFFFF  }
0xc5: {  	[dreg:$0x0] =	wrdreg $0xFFFFFFFF;
	(pc) =	sbr.abs _section_cstart, $3  }
0xc6: {  	[dreg:$0x1] =	wrdreg $0xFFFFFFFF  }
0xc7: {  	_ =	task.clear_ibuf [dreg:s7], $0x2FFFF;
	_ =	strace $0x9FFFFFFF  }
0xc8: {  	(tm) =	ssettm $0x7FFFFFFF  }
0xc9: {  	_ =	shalt  }
tec
execute0_lowered:
.L_overlay_start_1:
0x0: {  	(tag) =	ssettag $0x1  }
0x1: {  	s0 =	srdreg.scid;
	s29 =	stileid.u32  }
0x2: {  	s0 =	sand.u32 $0x1, s0;
	s2 =	sshll.u32 s29, $0x1  }
0x3: {  	s8 =	sor.u32 s0, s2  }
0x4: {  	s4 =	smul.u32 $0x7D, s8  }
0x5: {  	s9 =	smul.u32 $0x3E8, s8  }
0x6: {  	s10 =	sor.u32 $0x20, s8;
	s15 =	smul.u32 $0x1F40, s8  }
0x7: {  	s5 =	smul.u32 $0x7D, s10  }
0x8: {  	s1 =	rddreg [dreg:$0x0];
	s13 =	sor.u32 $0x40, s8;
	s11 =	smul.u32 $0x3E8, s10  }
0x9: {  	s3 =	rddreg [dreg:$0x1];
	s7 =	smul.u32 $0x7D, s13  }
0xa: {  	s0 =	ssub.s32 $0x2, s0;
	s14 =	sor.u32 $0x60, s8;
	s21 =	smul.u32 $0x3E8, s13  }
0xb: {  	s30 =	simm.s32 $0x3E8;
	s22 =	sshrl.u32 s0, $0x1;
	s12 =	smul.u32 $0x7D, s14  }
0xc: {  	s31 =	simm.s32 $0x0;
	s0 =	ssub.s32 s0, s22;
	s22 =	smul.u32 $0x3E8, s14  }
0xd: {  	s23 =	sadd.s32 $0x600, s3;
	s2 =	simm.s32 $0x0;
	s10 =	smul.u32 $0x1F40, s10  }
0xe: {  	p0 =	sgt.u32 s29, $0x1;
	[smem:$0x7FF] =	sst s2;
	s20 =	smul.u32 $0x1F40, s13  }
0xf: {  	s29 =	simm.s32 $0x1;
	_ =	strace $0x80000047;
	s14 =	smul.u32 $0x1F40, s14  }
0x10: {  	s3 =	sadd.s32 s1, s4;
	s4 =	sadd.s32 s23, s9;
	s9 =	sshrl.u32 s9, $0x3  }
0x11: {  	s24 =	sshrl.u32 s15, $0x3;
	s28 =	smax.u32 s0, $0x1;
	s5 =	sadd.s32 s1, s5  }
0x12: {  	s6 =	sadd.s32 s23, s11;
	s7 =	sadd.s32 s1, s7;
	s8 =	sadd.s32 s1, s12  }
0x13: {  	s16 =	sadd.s32 s1, s9;
	s11 =	sshrl.u32 s11, $0x3;
	s15 =	sadd.s32 s23, s24  }
0x14: {  	s25 =	sshrl.u32 s10, $0x3;
	s19 =	sshrl.u32 s21, $0x3;
	s26 =	sshrl.u32 s22, $0x3  }
0x15: {  	s20 =	sshrl.u32 s20, $0x3;
	s24 =	sshrl.u32 s14, $0x3;
	s21 =	sadd.s32 s23, s21  }
0x16: {  	s22 =	sadd.s32 s23, s22;
	s9 =	sadd.s32 $0x30D4, s16;
	s17 =	sadd.s32 s1, s11  }
0x17: {  	s10 =	sadd.s32 $0x186A0, s15;
	s18 =	sadd.s32 s23, s25;
	s19 =	sadd.s32 s1, s19  }
0x18: {  	s1 =	sadd.s32 s1, s26;
	s20 =	sadd.s32 s23, s20;
	s14 =	sadd.s32 $0x61A8, s16  }
.Ltmp0:
0x19: {  	v1 =	vimm.s32 $0x11010010;
	s15 =	sadd.s32 $0x30D40, s15;
	s26 =	sadd.s32 s23, s24;
	(pc) =	sbr.rel .LBB2_1-.Ltmp0, $4  }
0x1a: {  	v0 =	vlaneseq.u32;
	v2 =	vimm.s32 $0x10110100;
	v3 =	vimm.s32 $0x11101000;
	s11 =	sadd.s32 $0x30D4, s17;
	s12 =	sadd.s32 $0x186A0, s18;
	s13 =	sadd.s32 $0x30D4, s19  }
0x1b: {  	v1 =	vunpack.c.l.s4.s8 v1;
	v2 =	vunpack.c.l.s4.s8 v2;
	v3 =	vunpack.c.l.s4.s8 v3;
	s16 =	sadd.s32 $0x61A8, s17;
	s17 =	sadd.s32 $0x30D40, s18;
	s18 =	sadd.s32 $0x61A8, s19  }
0x1c: {  	v0 =	vshrl.u32 v0, $0x3;
	s19 =	sadd.s32 $0x186A0, s20;
	s20 =	sadd.s32 $0x30D40, s20;
	s23 =	sadd.s32 $0x30D4, s1  }
0x1d: {  	v1 =	vunpack.c.0.s8.s32 v1;
	v2 =	vunpack.c.0.s8.s32 v2;
	v3 =	vunpack.c.0.s8.s32 v3;
	s24 =	sadd.s32 $0x61A8, s1;
	s25 =	sadd.s32 $0x186A0, s26;
	s26 =	sadd.s32 $0x30D40, s26  }
.LBB2_30:
0x1e: {  	_ = 	snop  }
0x1f: {  	v5 =	vshll.u32 v5, $0x1  }
0x20: {  	s0 =	sadd.s32 $0x10, s1;
	v5 =	vor.u32 v3, v5  }
0x21: {  	[tilespmem:s0+$0x0] =	vst v5  }
0x22: {  	v4 =	vld.idx.msk [tilespmem:v4+s2+$0x0], $0xffff;
	_ =	sdelay $0x4  }
0x23: {  	v4 =	vshll.u32 v4, $0x1  }
0x24: {  	s0 =	sadd.s32 $0x10, s0;
	v4 =	vor.u32 v3, v4  }
0x25: {  	[tilespmem:s0+$0x0] =	vst v4  }
0x26: {  	[hbm4b:s26+s2] =	stream.linear.scatter [tilespmem:s30], [sflag:$0x1], $0x1F40, $0x38;
	[tilespmem:$0x2328] =	vst v63  }
0x27: {  	_ =	swait.ge [sflag:s29], $0x1F40  }
0x28: {  	[sflag:s29] =	ssyncset.done $0x0  }
0x29: {  	[sflag:s29] =	ssyncadd.s32 $0xFFFFE0C0  }
.LBB2_31:
0x2a: {  	s31 =	sadd.s32 $0x1, s31  }
0x2b: {  	p1 =	sne.s32 s31, s28  }
.Ltmp1:
0x2c: {  	_ = 	snop;
	(pc) =	sbr.rel @!p1 .LBB2_32-.Ltmp1, $1  }
0x2d: {  	_ =	sdelay $0x3  }
.LBB2_1:
0x2e: {  	v4 =	vor.u32 s2, v0  }
0x2f: {  	[tilespmem:s2], [sflag:$0x1] =	stream.linear.gather [hbm4b:s3+s2], $0x3E8, $0x38;
	[tilespmem:$0x2328] =	vst v63  }
0x30: {  	_ =	swait.ge [sflag:s29], $0x3E8  }
0x31: {  	[sflag:s29] =	ssyncset.done $0x0  }
0x32: {  	[sflag:s29] =	ssyncadd.s32 $0xFFFFFC18  }
0x33: {  	v4 =	vld.idx.msk [tilespmem:v4+s2+$0x0], $0xffff;
	_ =	sdelay $0x1  }
0x34: {  	s0 =	simm.s32 $0x2  }
0x35: {  	v5 =	vor.u32 s0, v0;
	_ =	sdelay $0x1  }
0x36: {  	v4 =	vshll.u32 v4, $0x1  }
0x37: {  	v4 =	vor.u32 v1, v4  }
0x38: {  	[tilespmem:s30+$0x0] =	vst v4  }
0x39: {  	v5 =	vld.idx.msk [tilespmem:v5+s2+$0x0], $0xffff;
	_ =	sdelay $0x1  }
0x3a: {  	s1 =	simm.s32 $0x4  }
0x3b: {  	s0 =	simm.s32 $0x6;
	v4 =	vor.u32 s1, v0;
	s1 =	simm.s32 $0x3E8  }
.LBB2_2:
0x3c: {  	p1 =	sne.s32 s0, $0x3E6  }
0x3d: {  	v5 =	vshll.u32 v5, $0x1  }
0x3e: {  	s1 =	sadd.s32 $0x10, s1;
	v5 =	vor.u32 v1, v5  }
0x3f: {  	[tilespmem:s1+$0x0] =	vst v5  }
.Ltmp2:
0x40: {  	v5 =	vld.idx.msk [tilespmem:v4+s2+$0x0], $0xffff;
	(pc) =	sbr.rel @p1 .LBB2_2-.Ltmp2, $2  }
0x41: {  	_ =	sdelay $0x2  }
0x42: {  	v4 =	vor.u32 s0, v0;
	s0 =	sadd.s32 $0x2, s0  }
0x43: {  	_ = 	snop  }
0x44: {  	v5 =	vshll.u32 v5, $0x1  }
0x45: {  	s0 =	sadd.s32 $0x10, s1;
	v5 =	vor.u32 v1, v5  }
0x46: {  	[tilespmem:s0+$0x0] =	vst v5  }
0x47: {  	v4 =	vld.idx.msk [tilespmem:v4+s2+$0x0], $0xffff;
	_ =	sdelay $0x4  }
0x48: {  	v4 =	vshll.u32 v4, $0x1  }
0x49: {  	s0 =	sadd.s32 $0x10, s0;
	v4 =	vor.u32 v1, v4  }
0x4a: {  	s1 =	simm.s32 $0x3E8;
	[tilespmem:s0+$0x0] =	vst v4;
	s0 =	simm.s32 $0x0  }
0x4b: {  	[hbm4b:s4+s0] =	stream.linear.scatter [tilespmem:s1], [sflag:$0x1], $0x1F40, $0x38;
	[tilespmem:$0x2328] =	vst v63  }
0x4c: {  	_ =	swait.ge [sflag:s29], $0x1F40  }
0x4d: {  	[sflag:s29] =	ssyncset.done $0x0  }
0x4e: {  	v4 =	vor.u32 s0, v0;
	[sflag:s29] =	ssyncadd.s32 $0xFFFFE0C0  }
0x4f: {  	[tilespmem:s0], [sflag:$0x1] =	stream.linear.gather [hbm4b:s5+s0], $0x3E8, $0x38;
	[tilespmem:$0x2328] =	vst v63  }
0x50: {  	_ =	swait.ge [sflag:s29], $0x3E8  }
0x51: {  	[sflag:s29] =	ssyncset.done $0x0  }
0x52: {  	[sflag:s29] =	ssyncadd.s32 $0xFFFFFC18  }
0x53: {  	v4 =	vld.idx.msk [tilespmem:v4+s2+$0x0], $0xffff;
	_ =	sdelay $0x1  }
0x54: {  	s0 =	simm.s32 $0x2  }
0x55: {  	v5 =	vor.u32 s0, v0;
	_ =	sdelay $0x1  }
0x56: {  	v4 =	vshll.u32 v4, $0x1  }
0x57: {  	v4 =	vor.u32 v1, v4  }
0x58: {  	[tilespmem:s1+$0x0] =	vst v4  }
0x59: {  	v5 =	vld.idx.msk [tilespmem:v5+s2+$0x0], $0xffff;
	_ =	sdelay $0x1  }
0x5a: {  	s0 =	simm.s32 $0x4  }
0x5b: {  	v4 =	vor.u32 s0, v0;
	s0 =	simm.s32 $0x6  }
.LBB2_4:
0x5c: {  	p1 =	sne.s32 s0, $0x3E6  }
0x5d: {  	v5 =	vshll.u32 v5, $0x1  }
0x5e: {  	s1 =	sadd.s32 $0x10, s1;
	v5 =	vor.u32 v1, v5  }
0x5f: {  	[tilespmem:s1+$0x0] =	vst v5  }
.Ltmp3:
0x60: {  	v5 =	vld.idx.msk [tilespmem:v4+s2+$0x0], $0xffff;
	(pc) =	sbr.rel @p1 .LBB2_4-.Ltmp3, $2  }
0x61: {  	_ =	sdelay $0x2  }
0x62: {  	v4 =	vor.u32 s0, v0;
	s0 =	sadd.s32 $0x2, s0  }
0x63: {  	_ = 	snop  }
0x64: {  	v5 =	vshll.u32 v5, $0x1  }
0x65: {  	s0 =	sadd.s32 $0x10, s1;
	v5 =	vor.u32 v1, v5  }
0x66: {  	[tilespmem:s0+$0x0] =	vst v5  }
0x67: {  	v4 =	vld.idx.msk [tilespmem:v4+s2+$0x0], $0xffff;
	_ =	sdelay $0x4  }
0x68: {  	v4 =	vshll.u32 v4, $0x1  }
0x69: {  	s0 =	sadd.s32 $0x10, s0;
	v4 =	vor.u32 v1, v4  }
0x6a: {  	s1 =	simm.s32 $0x3E8;
	[tilespmem:s0+$0x0] =	vst v4;
	s0 =	simm.s32 $0x0  }
0x6b: {  	[hbm4b:s6+s0] =	stream.linear.scatter [tilespmem:s1], [sflag:$0x1], $0x1F40, $0x38;
	[tilespmem:$0x2328] =	vst v63  }
0x6c: {  	_ =	swait.ge [sflag:s29], $0x1F40  }
0x6d: {  	[sflag:s29] =	ssyncset.done $0x0  }
0x6e: {  	v4 =	vor.u32 s0, v0;
	[sflag:s29] =	ssyncadd.s32 $0xFFFFE0C0  }
0x6f: {  	[tilespmem:s0], [sflag:$0x1] =	stream.linear.gather [hbm4b:s7+s0], $0x3E8, $0x38;
	[tilespmem:$0x2328] =	vst v63  }
0x70: {  	_ =	swait.ge [sflag:s29], $0x3E8  }
0x71: {  	[sflag:s29] =	ssyncset.done $0x0  }
0x72: {  	[sflag:s29] =	ssyncadd.s32 $0xFFFFFC18  }
0x73: {  	v4 =	vld.idx.msk [tilespmem:v4+s2+$0x0], $0xffff;
	_ =	sdelay $0x1  }
0x74: {  	s0 =	simm.s32 $0x2  }
0x75: {  	v5 =	vor.u32 s0, v0;
	_ =	sdelay $0x1  }
0x76: {  	v4 =	vshll.u32 v4, $0x1  }
0x77: {  	v4 =	vor.u32 v1, v4  }
0x78: {  	[tilespmem:s1+$0x0] =	vst v4  }
0x79: {  	v5 =	vld.idx.msk [tilespmem:v5+s2+$0x0], $0xffff;
	_ =	sdelay $0x1  }
0x7a: {  	s0 =	simm.s32 $0x4  }
0x7b: {  	v4 =	vor.u32 s0, v0;
	s0 =	simm.s32 $0x6  }
.LBB2_6:
0x7c: {  	p1 =	sne.s32 s0, $0x3E6  }
0x7d: {  	v5 =	vshll.u32 v5, $0x1  }
0x7e: {  	s1 =	sadd.s32 $0x10, s1;
	v5 =	vor.u32 v1, v5  }
0x7f: {  	[tilespmem:s1+$0x0] =	vst v5  }
.Ltmp4:
0x80: {  	v5 =	vld.idx.msk [tilespmem:v4+s2+$0x0], $0xffff;
	(pc) =	sbr.rel @p1 .LBB2_6-.Ltmp4, $2  }
0x81: {  	_ =	sdelay $0x2  }
0x82: {  	v4 =	vor.u32 s0, v0;
	s0 =	sadd.s32 $0x2, s0  }
0x83: {  	_ = 	snop  }
0x84: {  	v5 =	vshll.u32 v5, $0x1  }
0x85: {  	s0 =	sadd.s32 $0x10, s1;
	v5 =	vor.u32 v1, v5  }
0x86: {  	[tilespmem:s0+$0x0] =	vst v5  }
0x87: {  	v4 =	vld.idx.msk [tilespmem:v4+s2+$0x0], $0xffff;
	_ =	sdelay $0x4  }
0x88: {  	v4 =	vshll.u32 v4, $0x1  }
0x89: {  	s0 =	sadd.s32 $0x10, s0;
	v4 =	vor.u32 v1, v4  }
.Ltmp5:
0x8a: {  	[tilespmem:s0+$0x0] =	vst v4;
	(pc) =	sbr.rel @p0 .LBB2_11-.Ltmp5, $4  }
0x8b: {  	[hbm4b:s21+s2] =	stream.linear.scatter [tilespmem:s30], [sflag:$0x1], $0x1F40, $0x38;
	[tilespmem:$0x2328] =	vst v63  }
0x8c: {  	_ =	swait.ge [sflag:s29], $0x1F40  }
0x8d: {  	[sflag:s29] =	ssyncset.done $0x0  }
0x8e: {  	[sflag:s29] =	ssyncadd.s32 $0xFFFFE0C0  }
0x8f: {  	s0 =	simm.s32 $0x0  }
0x90: {  	v4 =	vor.u32 s0, v0  }
0x91: {  	[tilespmem:s0], [sflag:$0x1] =	stream.linear.gather [hbm4b:s8+s0], $0x3E8, $0x38;
	[tilespmem:$0x2328] =	vst v63  }
0x92: {  	_ =	swait.ge [sflag:s29], $0x3E8  }
0x93: {  	[sflag:s29] =	ssyncset.done $0x0  }
0x94: {  	[sflag:s29] =	ssyncadd.s32 $0xFFFFFC18  }
0x95: {  	v4 =	vld.idx.msk [tilespmem:v4+s2+$0x0], $0xffff;
	_ =	sdelay $0x1  }
0x96: {  	s1 =	simm.s32 $0x2  }
0x97: {  	v5 =	vor.u32 s1, v0;
	_ =	sdelay $0x1  }
0x98: {  	v4 =	vshll.u32 v4, $0x1  }
0x99: {  	s1 =	simm.s32 $0x3E8;
	v4 =	vor.u32 v1, v4  }
0x9a: {  	[tilespmem:s1+$0x0] =	vst v4  }
0x9b: {  	v5 =	vld.idx.msk [tilespmem:v5+s2+$0x0], $0xffff;
	_ =	sdelay $0x1  }
0x9c: {  	s0 =	simm.s32 $0x4  }
0x9d: {  	v4 =	vor.u32 s0, v0;
	s0 =	simm.s32 $0x6  }
.LBB2_9:
0x9e: {  	p1 =	sne.s32 s0, $0x3E6  }
0x9f: {  	v5 =	vshll.u32 v5, $0x1  }
0xa0: {  	s1 =	sadd.s32 $0x10, s1;
	v5 =	vor.u32 v1, v5  }
0xa1: {  	[tilespmem:s1+$0x0] =	vst v5  }
.Ltmp6:
0xa2: {  	v5 =	vld.idx.msk [tilespmem:v4+s2+$0x0], $0xffff;
	(pc) =	sbr.rel @p1 .LBB2_9-.Ltmp6, $2  }
0xa3: {  	_ =	sdelay $0x2  }
0xa4: {  	v4 =	vor.u32 s0, v0;
	s0 =	sadd.s32 $0x2, s0  }
0xa5: {  	_ = 	snop  }
0xa6: {  	v5 =	vshll.u32 v5, $0x1  }
0xa7: {  	s0 =	sadd.s32 $0x10, s1;
	v5 =	vor.u32 v1, v5  }
0xa8: {  	[tilespmem:s0+$0x0] =	vst v5  }
0xa9: {  	v4 =	vld.idx.msk [tilespmem:v4+s2+$0x0], $0xffff;
	_ =	sdelay $0x4  }
0xaa: {  	v4 =	vshll.u32 v4, $0x1  }
0xab: {  	s0 =	sadd.s32 $0x10, s0;
	v4 =	vor.u32 v1, v4  }
0xac: {  	[tilespmem:s0+$0x0] =	vst v4  }
0xad: {  	[hbm4b:s22+s2] =	stream.linear.scatter [tilespmem:s30], [sflag:$0x1], $0x1F40, $0x38;
	[tilespmem:$0x2328] =	vst v63  }
0xae: {  	_ =	swait.ge [sflag:s29], $0x1F40  }
0xaf: {  	[sflag:s29] =	ssyncset.done $0x0  }
0xb0: {  	[sflag:s29] =	ssyncadd.s32 $0xFFFFE0C0  }
.LBB2_11:
0xb1: {  	s0 =	simm.s32 $0x0  }
0xb2: {  	v4 =	vor.u32 s0, v0  }
0xb3: {  	[tilespmem:s0], [sflag:$0x1] =	stream.linear.gather [hbm4b:s9+s0], $0x3E8, $0x38;
	[tilespmem:$0x2328] =	vst v63  }
0xb4: {  	_ =	swait.ge [sflag:s29], $0x3E8  }
0xb5: {  	[sflag:s29] =	ssyncset.done $0x0  }
0xb6: {  	[sflag:s29] =	ssyncadd.s32 $0xFFFFFC18  }
0xb7: {  	v4 =	vld.idx.msk [tilespmem:v4+s2+$0x0], $0xffff;
	_ =	sdelay $0x1  }
0xb8: {  	s1 =	simm.s32 $0x2  }
0xb9: {  	v5 =	vor.u32 s1, v0;
	_ =	sdelay $0x1  }
0xba: {  	v4 =	vshll.u32 v4, $0x1  }
0xbb: {  	s1 =	simm.s32 $0x3E8;
	v4 =	vor.u32 v2, v4  }
0xbc: {  	[tilespmem:s1+$0x0] =	vst v4  }
0xbd: {  	v5 =	vld.idx.msk [tilespmem:v5+s2+$0x0], $0xffff;
	_ =	sdelay $0x1  }
0xbe: {  	s0 =	simm.s32 $0x4  }
0xbf: {  	v4 =	vor.u32 s0, v0;
	s0 =	simm.s32 $0x6  }
.LBB2_12:
0xc0: {  	p1 =	sne.s32 s0, $0x3E6  }
0xc1: {  	v5 =	vshll.u32 v5, $0x1  }
0xc2: {  	s1 =	sadd.s32 $0x10, s1;
	v5 =	vor.u32 v2, v5  }
0xc3: {  	[tilespmem:s1+$0x0] =	vst v5  }
.Ltmp7:
0xc4: {  	v5 =	vld.idx.msk [tilespmem:v4+s2+$0x0], $0xffff;
	(pc) =	sbr.rel @p1 .LBB2_12-.Ltmp7, $2  }
0xc5: {  	_ =	sdelay $0x2  }
0xc6: {  	v4 =	vor.u32 s0, v0;
	s0 =	sadd.s32 $0x2, s0  }
0xc7: {  	_ = 	snop  }
0xc8: {  	v5 =	vshll.u32 v5, $0x1  }
0xc9: {  	s0 =	sadd.s32 $0x10, s1;
	v5 =	vor.u32 v2, v5  }
0xca: {  	[tilespmem:s0+$0x0] =	vst v5  }
0xcb: {  	v4 =	vld.idx.msk [tilespmem:v4+s2+$0x0], $0xffff;
	_ =	sdelay $0x4  }
0xcc: {  	v4 =	vshll.u32 v4, $0x1  }
0xcd: {  	s0 =	sadd.s32 $0x10, s0;
	v4 =	vor.u32 v2, v4  }
0xce: {  	s1 =	simm.s32 $0x3E8;
	[tilespmem:s0+$0x0] =	vst v4;
	s0 =	simm.s32 $0x0  }
0xcf: {  	[hbm4b:s10+s0] =	stream.linear.scatter [tilespmem:s1], [sflag:$0x1], $0x1F40, $0x38;
	[tilespmem:$0x2328] =	vst v63  }
0xd0: {  	_ =	swait.ge [sflag:s29], $0x1F40  }
0xd1: {  	[sflag:s29] =	ssyncset.done $0x0  }
0xd2: {  	v4 =	vor.u32 s0, v0;
	[sflag:s29] =	ssyncadd.s32 $0xFFFFE0C0  }
0xd3: {  	[tilespmem:s0], [sflag:$0x1] =	stream.linear.gather [hbm4b:s11+s0], $0x3E8, $0x38;
	[tilespmem:$0x2328] =	vst v63  }
0xd4: {  	_ =	swait.ge [sflag:s29], $0x3E8  }
0xd5: {  	[sflag:s29] =	ssyncset.done $0x0  }
0xd6: {  	[sflag:s29] =	ssyncadd.s32 $0xFFFFFC18  }
0xd7: {  	v4 =	vld.idx.msk [tilespmem:v4+s2+$0x0], $0xffff;
	_ =	sdelay $0x1  }
0xd8: {  	s0 =	simm.s32 $0x2  }
0xd9: {  	v5 =	vor.u32 s0, v0;
	_ =	sdelay $0x1  }
0xda: {  	v4 =	vshll.u32 v4, $0x1  }
0xdb: {  	v4 =	vor.u32 v2, v4  }
0xdc: {  	[tilespmem:s1+$0x0] =	vst v4  }
0xdd: {  	v5 =	vld.idx.msk [tilespmem:v5+s2+$0x0], $0xffff;
	_ =	sdelay $0x1  }
0xde: {  	s0 =	simm.s32 $0x4  }
0xdf: {  	v4 =	vor.u32 s0, v0;
	s0 =	simm.s32 $0x6  }
.LBB2_14:
0xe0: {  	p1 =	sne.s32 s0, $0x3E6  }
0xe1: {  	v5 =	vshll.u32 v5, $0x1  }
0xe2: {  	s1 =	sadd.s32 $0x10, s1;
	v5 =	vor.u32 v2, v5  }
0xe3: {  	[tilespmem:s1+$0x0] =	vst v5  }
.Ltmp8:
0xe4: {  	v5 =	vld.idx.msk [tilespmem:v4+s2+$0x0], $0xffff;
	(pc) =	sbr.rel @p1 .LBB2_14-.Ltmp8, $2  }
0xe5: {  	_ =	sdelay $0x2  }
0xe6: {  	v4 =	vor.u32 s0, v0;
	s0 =	sadd.s32 $0x2, s0  }
0xe7: {  	_ = 	snop  }
0xe8: {  	v5 =	vshll.u32 v5, $0x1  }
0xe9: {  	s0 =	sadd.s32 $0x10, s1;
	v5 =	vor.u32 v2, v5  }
0xea: {  	[tilespmem:s0+$0x0] =	vst v5  }
0xeb: {  	v4 =	vld.idx.msk [tilespmem:v4+s2+$0x0], $0xffff;
	_ =	sdelay $0x4  }
0xec: {  	v4 =	vshll.u32 v4, $0x1  }
0xed: {  	s0 =	sadd.s32 $0x10, s0;
	v4 =	vor.u32 v2, v4  }
0xee: {  	s1 =	simm.s32 $0x3E8;
	[tilespmem:s0+$0x0] =	vst v4;
	s0 =	simm.s32 $0x0  }
0xef: {  	[hbm4b:s12+s0] =	stream.linear.scatter [tilespmem:s1], [sflag:$0x1], $0x1F40, $0x38;
	[tilespmem:$0x2328] =	vst v63  }
0xf0: {  	_ =	swait.ge [sflag:s29], $0x1F40  }
0xf1: {  	[sflag:s29] =	ssyncset.done $0x0  }
0xf2: {  	v4 =	vor.u32 s0, v0;
	[sflag:s29] =	ssyncadd.s32 $0xFFFFE0C0  }
0xf3: {  	[tilespmem:s0], [sflag:$0x1] =	stream.linear.gather [hbm4b:s13+s0], $0x3E8, $0x38;
	[tilespmem:$0x2328] =	vst v63  }
0xf4: {  	_ =	swait.ge [sflag:s29], $0x3E8  }
0xf5: {  	[sflag:s29] =	ssyncset.done $0x0  }
0xf6: {  	[sflag:s29] =	ssyncadd.s32 $0xFFFFFC18  }
0xf7: {  	v4 =	vld.idx.msk [tilespmem:v4+s2+$0x0], $0xffff;
	_ =	sdelay $0x1  }
0xf8: {  	s0 =	simm.s32 $0x2  }
0xf9: {  	v5 =	vor.u32 s0, v0;
	_ =	sdelay $0x1  }
0xfa: {  	v4 =	vshll.u32 v4, $0x1  }
0xfb: {  	v4 =	vor.u32 v2, v4  }
0xfc: {  	[tilespmem:s1+$0x0] =	vst v4  }
0xfd: {  	v5 =	vld.idx.msk [tilespmem:v5+s2+$0x0], $0xffff;
	_ =	sdelay $0x1  }
0xfe: {  	s0 =	simm.s32 $0x4  }
0xff: {  	v4 =	vor.u32 s0, v0;
	s0 =	simm.s32 $0x6  }
.LBB2_16:
0x100: {  	p1 =	sne.s32 s0, $0x3E6  }
0x101: {  	v5 =	vshll.u32 v5, $0x1  }
0x102: {  	s1 =	sadd.s32 $0x10, s1;
	v5 =	vor.u32 v2, v5  }
0x103: {  	[tilespmem:s1+$0x0] =	vst v5  }
.Ltmp9:
0x104: {  	v5 =	vld.idx.msk [tilespmem:v4+s2+$0x0], $0xffff;
	(pc) =	sbr.rel @p1 .LBB2_16-.Ltmp9, $2  }
0x105: {  	_ =	sdelay $0x2  }
0x106: {  	v4 =	vor.u32 s0, v0;
	s0 =	sadd.s32 $0x2, s0  }
0x107: {  	_ = 	snop  }
0x108: {  	v5 =	vshll.u32 v5, $0x1  }
0x109: {  	s0 =	sadd.s32 $0x10, s1;
	v5 =	vor.u32 v2, v5  }
0x10a: {  	[tilespmem:s0+$0x0] =	vst v5  }
0x10b: {  	v4 =	vld.idx.msk [tilespmem:v4+s2+$0x0], $0xffff;
	_ =	sdelay $0x4  }
0x10c: {  	v4 =	vshll.u32 v4, $0x1  }
0x10d: {  	s0 =	sadd.s32 $0x10, s0;
	v4 =	vor.u32 v2, v4  }
.Ltmp10:
0x10e: {  	[tilespmem:s0+$0x0] =	vst v4;
	(pc) =	sbr.rel @p0 .LBB2_21-.Ltmp10, $4  }
0x10f: {  	[hbm4b:s19+s2] =	stream.linear.scatter [tilespmem:s30], [sflag:$0x1], $0x1F40, $0x38;
	[tilespmem:$0x2328] =	vst v63  }
0x110: {  	_ =	swait.ge [sflag:s29], $0x1F40  }
0x111: {  	[sflag:s29] =	ssyncset.done $0x0  }
0x112: {  	[sflag:s29] =	ssyncadd.s32 $0xFFFFE0C0  }
0x113: {  	s0 =	simm.s32 $0x0  }
0x114: {  	v4 =	vor.u32 s0, v0  }
0x115: {  	[tilespmem:s0], [sflag:$0x1] =	stream.linear.gather [hbm4b:s23+s0], $0x3E8, $0x38;
	[tilespmem:$0x2328] =	vst v63  }
0x116: {  	_ =	swait.ge [sflag:s29], $0x3E8  }
0x117: {  	[sflag:s29] =	ssyncset.done $0x0  }
0x118: {  	[sflag:s29] =	ssyncadd.s32 $0xFFFFFC18  }
0x119: {  	v4 =	vld.idx.msk [tilespmem:v4+s2+$0x0], $0xffff;
	_ =	sdelay $0x1  }
0x11a: {  	s1 =	simm.s32 $0x2  }
0x11b: {  	v5 =	vor.u32 s1, v0;
	_ =	sdelay $0x1  }
0x11c: {  	v4 =	vshll.u32 v4, $0x1  }
0x11d: {  	s1 =	simm.s32 $0x3E8;
	v4 =	vor.u32 v2, v4  }
0x11e: {  	[tilespmem:s1+$0x0] =	vst v4  }
0x11f: {  	v5 =	vld.idx.msk [tilespmem:v5+s2+$0x0], $0xffff;
	_ =	sdelay $0x1  }
0x120: {  	s0 =	simm.s32 $0x4  }
0x121: {  	v4 =	vor.u32 s0, v0;
	s0 =	simm.s32 $0x6  }
.LBB2_19:
0x122: {  	p1 =	sne.s32 s0, $0x3E6  }
0x123: {  	v5 =	vshll.u32 v5, $0x1  }
0x124: {  	s1 =	sadd.s32 $0x10, s1;
	v5 =	vor.u32 v2, v5  }
0x125: {  	[tilespmem:s1+$0x0] =	vst v5  }
.Ltmp11:
0x126: {  	v5 =	vld.idx.msk [tilespmem:v4+s2+$0x0], $0xffff;
	(pc) =	sbr.rel @p1 .LBB2_19-.Ltmp11, $2  }
0x127: {  	_ =	sdelay $0x2  }
0x128: {  	v4 =	vor.u32 s0, v0;
	s0 =	sadd.s32 $0x2, s0  }
0x129: {  	_ = 	snop  }
0x12a: {  	v5 =	vshll.u32 v5, $0x1  }
0x12b: {  	s0 =	sadd.s32 $0x10, s1;
	v5 =	vor.u32 v2, v5  }
0x12c: {  	[tilespmem:s0+$0x0] =	vst v5  }
0x12d: {  	v4 =	vld.idx.msk [tilespmem:v4+s2+$0x0], $0xffff;
	_ =	sdelay $0x4  }
0x12e: {  	v4 =	vshll.u32 v4, $0x1  }
0x12f: {  	s0 =	sadd.s32 $0x10, s0;
	v4 =	vor.u32 v2, v4  }
0x130: {  	[tilespmem:s0+$0x0] =	vst v4  }
0x131: {  	[hbm4b:s25+s2] =	stream.linear.scatter [tilespmem:s30], [sflag:$0x1], $0x1F40, $0x38;
	[tilespmem:$0x2328] =	vst v63  }
0x132: {  	_ =	swait.ge [sflag:s29], $0x1F40  }
0x133: {  	[sflag:s29] =	ssyncset.done $0x0  }
0x134: {  	[sflag:s29] =	ssyncadd.s32 $0xFFFFE0C0  }
.LBB2_21:
0x135: {  	s0 =	simm.s32 $0x0  }
0x136: {  	v4 =	vor.u32 s0, v0  }
0x137: {  	[tilespmem:s0], [sflag:$0x1] =	stream.linear.gather [hbm4b:s14+s0], $0x3E8, $0x38;
	[tilespmem:$0x2328] =	vst v63  }
0x138: {  	_ =	swait.ge [sflag:s29], $0x3E8  }
0x139: {  	[sflag:s29] =	ssyncset.done $0x0  }
0x13a: {  	[sflag:s29] =	ssyncadd.s32 $0xFFFFFC18  }
0x13b: {  	v4 =	vld.idx.msk [tilespmem:v4+s2+$0x0], $0xffff;
	_ =	sdelay $0x1  }
0x13c: {  	s1 =	simm.s32 $0x2  }
0x13d: {  	v5 =	vor.u32 s1, v0;
	_ =	sdelay $0x1  }
0x13e: {  	v4 =	vshll.u32 v4, $0x1  }
0x13f: {  	s1 =	simm.s32 $0x3E8;
	v4 =	vor.u32 v3, v4  }
0x140: {  	[tilespmem:s1+$0x0] =	vst v4  }
0x141: {  	v5 =	vld.idx.msk [tilespmem:v5+s2+$0x0], $0xffff;
	_ =	sdelay $0x1  }
0x142: {  	s0 =	simm.s32 $0x4  }
0x143: {  	v4 =	vor.u32 s0, v0;
	s0 =	simm.s32 $0x6  }
.LBB2_22:
0x144: {  	p1 =	sne.s32 s0, $0x3E6  }
0x145: {  	v5 =	vshll.u32 v5, $0x1  }
0x146: {  	s1 =	sadd.s32 $0x10, s1;
	v5 =	vor.u32 v3, v5  }
0x147: {  	[tilespmem:s1+$0x0] =	vst v5  }
.Ltmp12:
0x148: {  	v5 =	vld.idx.msk [tilespmem:v4+s2+$0x0], $0xffff;
	(pc) =	sbr.rel @p1 .LBB2_22-.Ltmp12, $2  }
0x149: {  	_ =	sdelay $0x2  }
0x14a: {  	v4 =	vor.u32 s0, v0;
	s0 =	sadd.s32 $0x2, s0  }
0x14b: {  	_ = 	snop  }
0x14c: {  	v5 =	vshll.u32 v5, $0x1  }
0x14d: {  	s0 =	sadd.s32 $0x10, s1;
	v5 =	vor.u32 v3, v5  }
0x14e: {  	[tilespmem:s0+$0x0] =	vst v5  }
0x14f: {  	v4 =	vld.idx.msk [tilespmem:v4+s2+$0x0], $0xffff;
	_ =	sdelay $0x4  }
0x150: {  	v4 =	vshll.u32 v4, $0x1  }
0x151: {  	s0 =	sadd.s32 $0x10, s0;
	v4 =	vor.u32 v3, v4  }
0x152: {  	s1 =	simm.s32 $0x3E8;
	[tilespmem:s0+$0x0] =	vst v4;
	s0 =	simm.s32 $0x0  }
0x153: {  	[hbm4b:s15+s0] =	stream.linear.scatter [tilespmem:s1], [sflag:$0x1], $0x1F40, $0x38;
	[tilespmem:$0x2328] =	vst v63  }
0x154: {  	_ =	swait.ge [sflag:s29], $0x1F40  }
0x155: {  	[sflag:s29] =	ssyncset.done $0x0  }
0x156: {  	v4 =	vor.u32 s0, v0;
	[sflag:s29] =	ssyncadd.s32 $0xFFFFE0C0  }
0x157: {  	[tilespmem:s0], [sflag:$0x1] =	stream.linear.gather [hbm4b:s16+s0], $0x3E8, $0x38;
	[tilespmem:$0x2328] =	vst v63  }
0x158: {  	_ =	swait.ge [sflag:s29], $0x3E8  }
0x159: {  	[sflag:s29] =	ssyncset.done $0x0  }
0x15a: {  	[sflag:s29] =	ssyncadd.s32 $0xFFFFFC18  }
0x15b: {  	v4 =	vld.idx.msk [tilespmem:v4+s2+$0x0], $0xffff;
	_ =	sdelay $0x1  }
0x15c: {  	s0 =	simm.s32 $0x2  }
0x15d: {  	v5 =	vor.u32 s0, v0;
	_ =	sdelay $0x1  }
0x15e: {  	v4 =	vshll.u32 v4, $0x1  }
0x15f: {  	v4 =	vor.u32 v3, v4  }
0x160: {  	[tilespmem:s1+$0x0] =	vst v4  }
0x161: {  	v5 =	vld.idx.msk [tilespmem:v5+s2+$0x0], $0xffff;
	_ =	sdelay $0x1  }
0x162: {  	s0 =	simm.s32 $0x4  }
0x163: {  	v4 =	vor.u32 s0, v0;
	s0 =	simm.s32 $0x6  }
.LBB2_24:
0x164: {  	p1 =	sne.s32 s0, $0x3E6  }
0x165: {  	v5 =	vshll.u32 v5, $0x1  }
0x166: {  	s1 =	sadd.s32 $0x10, s1;
	v5 =	vor.u32 v3, v5  }
0x167: {  	[tilespmem:s1+$0x0] =	vst v5  }
.Ltmp13:
0x168: {  	v5 =	vld.idx.msk [tilespmem:v4+s2+$0x0], $0xffff;
	(pc) =	sbr.rel @p1 .LBB2_24-.Ltmp13, $2  }
0x169: {  	_ =	sdelay $0x2  }
0x16a: {  	v4 =	vor.u32 s0, v0;
	s0 =	sadd.s32 $0x2, s0  }
0x16b: {  	_ = 	snop  }
0x16c: {  	v5 =	vshll.u32 v5, $0x1  }
0x16d: {  	s0 =	sadd.s32 $0x10, s1;
	v5 =	vor.u32 v3, v5  }
0x16e: {  	[tilespmem:s0+$0x0] =	vst v5  }
0x16f: {  	v4 =	vld.idx.msk [tilespmem:v4+s2+$0x0], $0xffff;
	_ =	sdelay $0x4  }
0x170: {  	v4 =	vshll.u32 v4, $0x1  }
0x171: {  	s0 =	sadd.s32 $0x10, s0;
	v4 =	vor.u32 v3, v4  }
0x172: {  	s1 =	simm.s32 $0x3E8;
	[tilespmem:s0+$0x0] =	vst v4;
	s0 =	simm.s32 $0x0  }
0x173: {  	[hbm4b:s17+s0] =	stream.linear.scatter [tilespmem:s1], [sflag:$0x1], $0x1F40, $0x38;
	[tilespmem:$0x2328] =	vst v63  }
0x174: {  	_ =	swait.ge [sflag:s29], $0x1F40  }
0x175: {  	[sflag:s29] =	ssyncset.done $0x0  }
0x176: {  	v4 =	vor.u32 s0, v0;
	[sflag:s29] =	ssyncadd.s32 $0xFFFFE0C0  }
0x177: {  	[tilespmem:s0], [sflag:$0x1] =	stream.linear.gather [hbm4b:s18+s0], $0x3E8, $0x38;
	[tilespmem:$0x2328] =	vst v63  }
0x178: {  	_ =	swait.ge [sflag:s29], $0x3E8  }
0x179: {  	[sflag:s29] =	ssyncset.done $0x0  }
0x17a: {  	[sflag:s29] =	ssyncadd.s32 $0xFFFFFC18  }
0x17b: {  	v4 =	vld.idx.msk [tilespmem:v4+s2+$0x0], $0xffff;
	_ =	sdelay $0x1  }
0x17c: {  	s0 =	simm.s32 $0x2  }
0x17d: {  	v5 =	vor.u32 s0, v0;
	_ =	sdelay $0x1  }
0x17e: {  	v4 =	vshll.u32 v4, $0x1  }
0x17f: {  	v4 =	vor.u32 v3, v4  }
0x180: {  	[tilespmem:s1+$0x0] =	vst v4  }
0x181: {  	v5 =	vld.idx.msk [tilespmem:v5+s2+$0x0], $0xffff;
	_ =	sdelay $0x1  }
0x182: {  	s0 =	simm.s32 $0x4  }
0x183: {  	v4 =	vor.u32 s0, v0;
	s0 =	simm.s32 $0x6  }
.LBB2_26:
0x184: {  	p1 =	sne.s32 s0, $0x3E6  }
0x185: {  	v5 =	vshll.u32 v5, $0x1  }
0x186: {  	s1 =	sadd.s32 $0x10, s1;
	v5 =	vor.u32 v3, v5  }
0x187: {  	[tilespmem:s1+$0x0] =	vst v5  }
.Ltmp14:
0x188: {  	v5 =	vld.idx.msk [tilespmem:v4+s2+$0x0], $0xffff;
	(pc) =	sbr.rel @p1 .LBB2_26-.Ltmp14, $2  }
0x189: {  	_ =	sdelay $0x2  }
0x18a: {  	v4 =	vor.u32 s0, v0;
	s0 =	sadd.s32 $0x2, s0  }
0x18b: {  	_ = 	snop  }
0x18c: {  	v5 =	vshll.u32 v5, $0x1  }
0x18d: {  	s0 =	sadd.s32 $0x10, s1;
	v5 =	vor.u32 v3, v5  }
0x18e: {  	[tilespmem:s0+$0x0] =	vst v5  }
0x18f: {  	v4 =	vld.idx.msk [tilespmem:v4+s2+$0x0], $0xffff;
	_ =	sdelay $0x4  }
0x190: {  	v4 =	vshll.u32 v4, $0x1  }
0x191: {  	s0 =	sadd.s32 $0x10, s0;
	v4 =	vor.u32 v3, v4  }
.Ltmp15:
0x192: {  	[tilespmem:s0+$0x0] =	vst v4;
	(pc) =	sbr.rel @p0 .LBB2_31-.Ltmp15, $4  }
0x193: {  	[hbm4b:s20+s2] =	stream.linear.scatter [tilespmem:s30], [sflag:$0x1], $0x1F40, $0x38;
	[tilespmem:$0x2328] =	vst v63  }
0x194: {  	_ =	swait.ge [sflag:s29], $0x1F40  }
0x195: {  	[sflag:s29] =	ssyncset.done $0x0  }
0x196: {  	[sflag:s29] =	ssyncadd.s32 $0xFFFFE0C0  }
0x197: {  	s0 =	simm.s32 $0x0  }
0x198: {  	v4 =	vor.u32 s0, v0  }
0x199: {  	[tilespmem:s0], [sflag:$0x1] =	stream.linear.gather [hbm4b:s24+s0], $0x3E8, $0x38;
	[tilespmem:$0x2328] =	vst v63  }
0x19a: {  	_ =	swait.ge [sflag:s29], $0x3E8  }
0x19b: {  	[sflag:s29] =	ssyncset.done $0x0  }
0x19c: {  	[sflag:s29] =	ssyncadd.s32 $0xFFFFFC18  }
0x19d: {  	v4 =	vld.idx.msk [tilespmem:v4+s2+$0x0], $0xffff;
	_ =	sdelay $0x1  }
0x19e: {  	s1 =	simm.s32 $0x2  }
0x19f: {  	v5 =	vor.u32 s1, v0;
	_ =	sdelay $0x1  }
0x1a0: {  	v4 =	vshll.u32 v4, $0x1  }
0x1a1: {  	s1 =	simm.s32 $0x3E8;
	v4 =	vor.u32 v3, v4  }
0x1a2: {  	[tilespmem:s1+$0x0] =	vst v4  }
0x1a3: {  	v5 =	vld.idx.msk [tilespmem:v5+s2+$0x0], $0xffff;
	_ =	sdelay $0x1  }
0x1a4: {  	s0 =	simm.s32 $0x4  }
0x1a5: {  	v4 =	vor.u32 s0, v0;
	s0 =	simm.s32 $0x6  }
.LBB2_29:
0x1a6: {  	p1 =	sne.s32 s0, $0x3E6  }
0x1a7: {  	v5 =	vshll.u32 v5, $0x1  }
0x1a8: {  	s1 =	sadd.s32 $0x10, s1;
	v5 =	vor.u32 v3, v5  }
0x1a9: {  	[tilespmem:s1+$0x0] =	vst v5  }
.Ltmp16:
0x1aa: {  	v5 =	vld.idx.msk [tilespmem:v4+s2+$0x0], $0xffff;
	(pc) =	sbr.rel @p1 .LBB2_29-.Ltmp16, $2  }
0x1ab: {  	_ =	sdelay $0x2  }
0x1ac: {  	v4 =	vor.u32 s0, v0;
	s0 =	sadd.s32 $0x2, s0  }
.Ltmp17:
0x1ad: {  	_ = 	snop;
	(pc) =	sbr.rel .LBB2_30-.Ltmp17, $1  }
0x1ae: {  	_ =	sdelay $0x3  }
.LBB2_32:
0x1af: {  	_ =	sfence.sel $0x180000  }
0x1b0: {  	[bflag:$0x0] =	sbarrier.arrive $0xFFFF  }
0x1b1: {  	_ =	strace $0x90000047  }
0x1b2: {  	s0 =	stileid.u32;
	[bflag:$0x2] =	sbarrier.arrive $0xFFFF  }
0x1b3: {  	p0 =	sne.s32 s0, $0x0;
	s0 =	rddreg [dreg:$0x2]  }
0x1b4: {  	s0 =	sadd.s32 @!p0 $0x100000, s0  }
0x1b5: {  	[sflag:s0] =	ssyncadd.tile.s32 @!p0 $0x1;
	_ =	shalt  }
.Lfunc_end2:
_tile_overlayer_lowered:
.L_overlay_start_2:
0x1b6: {  	(tag) =	ssettag $0x2  }
0x1b7: {  	s0 =	rddreg [dreg:$0x0];
	s2 =	stileid.u32  }
0x1b8: {  	s1 =	rddreg [dreg:$0x1];
	p0 =	sne.s32 s2, $0x0  }
0x1b9: {  	s3 =	rddreg [dreg:$0x2];
	[bflag:$0x3] =	sbarrier.arrive $0xFFFF;
	s2 =	simm.s32 @!p0 $0x1C01  }
0x1ba: {  	[timem:s3], [sflag:s2] =	dma.local @!p0 [hbm:s0], s1  }
0x1bb: {  	s0 =	simm.s32 @!p0 $0x1  }
0x1bc: {  	_ =	swait.ge @!p0 [sflag:s0], s1  }
0x1bd: {  	s1 =	ssub.s32 @!p0 $0x0, s1;
	[sflag:s0] =	ssyncset.done @!p0 $0x0  }
0x1be: {  	[sflag:s0] =	ssyncadd.s32 @!p0 s1  }
0x1bf: {  	[bflag:$0x3] =	sbarrier.arrive $0xFFFF  }
0x1c0: {  	_ =	shalt  }

</sc_bundles>
